<compile_context>
chip_gen: v7x
topology: tpu7x:2x2x1
jax: 0.10.2.dev20260603
libtpu: 0.0.44.dev20260713+nightly
codegen_flags: <defaults>
</compile_context>

<pallas_src>
import functools

import jax
import jax.numpy as jnp
from jax import lax
from jax.experimental import pallas as pl
from jax.experimental.pallas import tpu as pltpu
from jax.experimental.pallas import tpu_sc as plsc

E = 8
K = 2
D = 1024
F = 512
SF = 2048
T = 2048
P = T * K

TILE = 256
_PADMAX = (E * (TILE - 1)) // TILE * TILE
NSLOT = P + _PADMAX
NTILES = NSLOT // TILE

NC = 2
NS = 16
NW = NC * NS
RPW = P // NW
CH = 64
NCH = RPW // CH


def _cumsum_lanes(a):
    n = a.shape[1]
    sh = 1
    while sh < n:
        a = a + jnp.concatenate(
            [jnp.zeros((a.shape[0], sh), a.dtype), a[:, :n - sh]], axis=1)
        sh *= 2
    return a


def _cumsum_rows(a):
    n = a.shape[0]
    sh = 1
    while sh < n:
        a = a + jnp.concatenate(
            [jnp.zeros((sh, a.shape[1]), a.dtype), a[:n - sh, :]], axis=0)
        sh *= 2
    return a


def _router_plan_body(x_ref, rw_ref, wpair_ref, slot_ref, texp_ref,
                      par_ref, nxe_ref):
    x = x_ref[...]
    rw = rw_ref[...]
    lg = lax.dot_general(rw, x, (((1,), (1,)), ((), ())),
                         preferred_element_type=jnp.float32)
    ie = lax.broadcasted_iota(jnp.int32, (E, T), 0)
    m1 = jnp.max(lg, axis=0, keepdims=True)
    i1 = jnp.min(jnp.where(lg == m1, ie, E), axis=0, keepdims=True)
    lg2 = jnp.where(ie == i1, -1e30, lg)
    m2 = jnp.max(lg2, axis=0, keepdims=True)
    i2 = jnp.min(jnp.where(lg2 == m2, ie, E), axis=0, keepdims=True)
    b = jnp.exp(m2 - m1)
    w0 = 1.0 / (1.0 + b)
    wpair_ref[...] = jnp.concatenate([w0, b * w0], axis=1)

    oh = jnp.concatenate([(ie == i1), (ie == i2)], axis=1).astype(jnp.float32)
    csum = _cumsum_lanes(oh)
    rank = jnp.sum((csum - oh) * oh, axis=0, keepdims=True)
    counts = csum[:, P - 1:P].astype(jnp.int32)
    padded = ((counts + (TILE - 1)) // TILE) * TILE
    offinc = _cumsum_rows(padded)
    off = offinc - padded
    offpick = jnp.sum(oh * off.astype(jnp.float32), axis=0, keepdims=True)
    slot_ref[...] = (rank + offpick).astype(jnp.int32)

    ntile_used = offinc[E - 1:E, :] // TILE
    jt = lax.broadcasted_iota(jnp.int32, (1, NTILES), 1)
    texp = jnp.zeros((1, NTILES), jnp.int32)
    boff = off // TILE
    for e in range(1, E):
        texp = texp + (jt >= boff[e:e + 1, :]).astype(jnp.int32)
    texp = jnp.where(jt < ntile_used, texp, E)
    texp_ref[...] = texp

    chg = jnp.concatenate(
        [jnp.ones((1, 1), jnp.float32),
         (texp[:, 1:] != texp[:, :-1]).astype(jnp.float32)], axis=1)
    runidx = _cumsum_lanes(chg).astype(jnp.int32) - 1
    par_ref[...] = jnp.bitwise_and(runidx, 1)
    eidx = lax.broadcasted_iota(jnp.int32, (E, NTILES), 0)
    present = (padded > 0)
    cand = jnp.where((eidx > texp) & present, eidx, E)
    nxe_ref[...] = jnp.min(cand, axis=0, keepdims=True)


def _router_plan(x, rw):
    return pl.pallas_call(
        _router_plan_body,
        out_shape=[
            jax.ShapeDtypeStruct((1, P), jnp.float32),
            jax.ShapeDtypeStruct((1, P), jnp.int32),
            jax.ShapeDtypeStruct((1, NTILES), jnp.int32),
            jax.ShapeDtypeStruct((1, NTILES), jnp.int32),
            jax.ShapeDtypeStruct((1, NTILES), jnp.int32),
        ],
    )(x, rw)


def _sc_dispatch(x, slots):
    mesh = plsc.VectorSubcoreMesh(core_axis_name="c", subcore_axis_name="s")

    @functools.partial(
        pl.kernel,
        out_type=jax.ShapeDtypeStruct((NSLOT, D), jnp.float32),
        mesh=mesh,
        scratch_types=[
            pltpu.VMEM((CH,), jnp.int32),
            pltpu.VMEM((CH, D), jnp.float32),
            pltpu.SemaphoreType.DMA,
        ],
    )
    def k(x_hbm, slots_hbm, xs_hbm, idx_v, row_v, sem):
        wid = lax.axis_index("s") * NC + lax.axis_index("c")
        base = wid * RPW
        basex = pl.multiple_of(base - jnp.where(base >= T, T, 0), RPW)
        for c in range(NCH):
            lo = base + c * CH
            pltpu.sync_copy(slots_hbm.at[pl.ds(lo, CH)], idx_v)
            pltpu.sync_copy(x_hbm.at[pl.ds(basex + c * CH, CH)], row_v)
            pltpu.async_copy(row_v, xs_hbm.at[idx_v], sem).wait()

    return k(x, slots)


def _ffn_body(te_ref, par_ref, nxe_ref, xs_ref, wg_hbm, wu_hbm, wd_hbm,
              ds_ref, wg_s, wu_s, wd_s, sems):
    j = pl.program_id(0)
    te = te_ref[j]
    par = par_ref[j]
    nxe = nxe_ref[j]
    prev = te_ref[jnp.maximum(j, 1) - 1]
    chg = (j == 0) | (te != prev)

    def copies(e, b):
        return (pltpu.make_async_copy(wg_hbm.at[e], wg_s.at[b], sems.at[b, 0]),
                pltpu.make_async_copy(wu_hbm.at[e], wu_s.at[b], sems.at[b, 1]),
                pltpu.make_async_copy(wd_hbm.at[e], wd_s.at[b], sems.at[b, 2]))

    @pl.when(chg & (te < E))
    def _():
        @pl.when(j == 0)
        def _():
            for cp in copies(te, par):
                cp.start()

        for cp in copies(te, par):
            cp.wait()

        @pl.when(nxe < E)
        def _():
            for cp in copies(jnp.minimum(nxe, E - 1), 1 - par):
                cp.start()

    @pl.when(te < E)
    def _():
        xt = xs_ref[...].astype(jnp.bfloat16)
        wg = wg_s[par].astype(jnp.bfloat16)
        wu = wu_s[par].astype(jnp.bfloat16)
        wd = wd_s[par].astype(jnp.bfloat16)
        g = lax.dot_general(xt, wg, (((1,), (1,)), ((), ())),
                            preferred_element_type=jnp.float32)
        u = lax.dot_general(xt, wu, (((1,), (1,)), ((), ())),
                            preferred_element_type=jnp.float32)
        h = ((g * jax.nn.sigmoid(g)) * u).astype(jnp.bfloat16)
        dn = lax.dot_general(h, wd, (((1,), (1,)), ((), ())),
                             preferred_element_type=jnp.float32)
        ub = lax.bitcast_convert_type(dn, jnp.uint32)
        rb = (ub + jnp.uint32(0x7FFF) + ((ub >> 16) & jnp.uint32(1))) >> 16
        ds_ref[...] = rb[:, :D // 2] | (rb[:, D // 2:] << 16)


def _ffn_grid_spec():
    return pltpu.PrefetchScalarGridSpec(
        num_scalar_prefetch=3,
        grid=(NTILES,),
        in_specs=[
            pl.BlockSpec((TILE, D), lambda j, te, pr, nx: (j, 0)),
            pl.BlockSpec(memory_space=pl.ANY),
            pl.BlockSpec(memory_space=pl.ANY),
            pl.BlockSpec(memory_space=pl.ANY),
        ],
        out_specs=pl.BlockSpec((TILE, D // 2), lambda j, te, pr, nx: (j, 0)),
        scratch_shapes=[
            pltpu.VMEM((2, F, D), jnp.float32),
            pltpu.VMEM((2, F, D), jnp.float32),
            pltpu.VMEM((2, D, F), jnp.float32),
            pltpu.SemaphoreType.DMA((2, 3)),
        ],
    )


def _ffn(texp, par, nxe, xs, w_gate, w_up, w_down):
    return pl.pallas_call(
        _ffn_body,
        grid_spec=_ffn_grid_spec(),
        out_shape=jax.ShapeDtypeStruct((NSLOT, D // 2), jnp.uint32),
    )(texp, par, nxe, xs, w_gate, w_up, w_down)


def _sc_combine(ds, slots):
    mesh = plsc.VectorSubcoreMesh(core_axis_name="c", subcore_axis_name="s")

    @functools.partial(
        pl.kernel,
        out_type=[
            jax.ShapeDtypeStruct((T, D // 2), jnp.uint32),
            jax.ShapeDtypeStruct((T, D // 2), jnp.uint32),
        ],
        mesh=mesh,
        scratch_types=[
            pltpu.VMEM((CH,), jnp.int32),
            pltpu.VMEM((CH, D // 2), jnp.uint32),
            pltpu.SemaphoreType.DMA,
        ],
    )
    def k(ds_hbm, slots_hbm, g0_hbm, g1_hbm, idx_v, row_v, sem):
        wid = lax.axis_index("s") * NC + lax.axis_index("c")
        base = wid * RPW
        for c in range(NCH):
            lo = base + c * CH
            pltpu.sync_copy(slots_hbm.at[pl.ds(lo, CH)], idx_v)
            pltpu.async_copy(ds_hbm.at[idx_v], row_v, sem).wait()

            @pl.when(base < T)
            def _():
                pltpu.sync_copy(row_v, g0_hbm.at[pl.ds(lo, CH)])

            @pl.when(base >= T)
            def _():
                pltpu.sync_copy(
                    row_v,
                    g1_hbm.at[pl.ds(pl.multiple_of(jnp.maximum(lo - T, 0), CH),
                                    CH)])

    return k(ds, slots)


_SH_TILE = 256


def _shared_body(x_ref, swg_ref, swu_ref, swd_ref, sgw_ref, o_ref):
    xt = x_ref[...]
    xb = xt.astype(jnp.bfloat16)
    g = lax.dot_general(xb, swg_ref[...].astype(jnp.bfloat16),
                        (((1,), (1,)), ((), ())),
                        preferred_element_type=jnp.float32)
    u = lax.dot_general(xb, swu_ref[...].astype(jnp.bfloat16),
                        (((1,), (1,)), ((), ())),
                        preferred_element_type=jnp.float32)
    sh = ((g * jax.nn.sigmoid(g)) * u).astype(jnp.bfloat16)
    dn = lax.dot_general(sh, swd_ref[...].astype(jnp.bfloat16),
                         (((1,), (1,)), ((), ())),
                         preferred_element_type=jnp.float32)
    gate = jax.nn.sigmoid(
        lax.dot_general(xt, sgw_ref[...], (((1,), (1,)), ((), ())),
                        preferred_element_type=jnp.float32))
    o_ref[...] = gate * dn


def _shared(x, sw_gate, sw_up, sw_down, shared_gate_w):
    return pl.pallas_call(
        _shared_body,
        grid=(T // _SH_TILE,),
        in_specs=[
            pl.BlockSpec((_SH_TILE, D), lambda j: (j, 0)),
            pl.BlockSpec((SF, D), lambda j: (0, 0)),
            pl.BlockSpec((SF, D), lambda j: (0, 0)),
            pl.BlockSpec((D, SF), lambda j: (0, 0)),
            pl.BlockSpec((1, D), lambda j: (0, 0)),
        ],
        out_specs=pl.BlockSpec((_SH_TILE, D), lambda j: (j, 0)),
        out_shape=jax.ShapeDtypeStruct((T, D), jnp.float32),
    )(x, sw_gate, sw_up, sw_down, shared_gate_w)


_CB_TILE = 512


def _unpack_g(ref):
    p = ref[...]
    lo = lax.bitcast_convert_type(p << 16, jnp.float32)
    hi = lax.bitcast_convert_type(p & jnp.uint32(0xFFFF0000), jnp.float32)
    return jnp.concatenate([lo, hi], axis=1)


def _combine_body(g0_ref, g1_ref, w0_ref, w1_ref, shg_ref, o_ref):
    o_ref[...] = (w0_ref[...] * _unpack_g(g0_ref)
                  + w1_ref[...] * _unpack_g(g1_ref) + shg_ref[...])


def _combine(g0, g1, w0, w1, shg):
    return pl.pallas_call(
        _combine_body,
        grid=(T // _CB_TILE,),
        in_specs=[
            pl.BlockSpec((_CB_TILE, D // 2), lambda j: (j, 0)),
            pl.BlockSpec((_CB_TILE, D // 2), lambda j: (j, 0)),
            pl.BlockSpec((_CB_TILE, 1), lambda j: (j, 0)),
            pl.BlockSpec((_CB_TILE, 1), lambda j: (j, 0)),
            pl.BlockSpec((_CB_TILE, D), lambda j: (j, 0)),
        ],
        out_specs=pl.BlockSpec((_CB_TILE, D), lambda j: (j, 0)),
        out_shape=jax.ShapeDtypeStruct((T, D), jnp.float32),
    )(g0, g1, w0, w1, shg)


def kernel(hidden_states, router_weight, w_gate, w_up, w_down,
           sw_gate, sw_up, sw_down, shared_gate_w):
    b, s, d = hidden_states.shape
    x = hidden_states.reshape(-1, d)

    wpair, slot2d, texp2d, par2d, nxe2d = _router_plan(x, router_weight)
    slots = slot2d.reshape(P)
    texp = texp2d.reshape(NTILES)
    par = par2d.reshape(NTILES)
    nxe = nxe2d.reshape(NTILES)
    wp = wpair.reshape(P, 1)

    xs = _sc_dispatch(x, slots)
    ds = _ffn(texp, par, nxe, xs, w_gate, w_up, w_down)
    g0, g1 = _sc_combine(ds, slots)

    shg = _shared(x, sw_gate, sw_up, sw_down, shared_gate_w)
    out = _combine(g0, g1, wp[:T], wp[T:], shg)
    return out.reshape(b, s, d)

# --- scband reference (transcript-rebuilt; emitter-appended) ---
"""Pipeline reference for scband-qwen3-5-moe-sparse-moe-block-79491254714412 (READ-ONLY COPY).

The authoritative reference and input builder live on the scoring server;
editing this copy changes nothing except your own understanding.
"""

import jax, jax.numpy as jnp
import numpy as np

E = 8        # num_experts
TOP_K = 2    # num_experts_per_tok
D = 1024     # hidden_size
F = 512      # moe_intermediate_size
SF = 2048    # shared_expert_intermediate_size
B = 1
S = 2048


def setup_inputs(seed: int = 0) -> dict:
    key = jax.random.key(seed)
    ks = jax.random.split(key, 9)
    def init(k, shape, fan_in):
        return (jax.random.normal(k, shape, dtype=jnp.float32) / np.sqrt(fan_in)).astype(jnp.float32)
    return {
        "hidden_states": jax.random.normal(ks[0], (B, S, D), dtype=jnp.float32),
        "router_weight": init(ks[1], (E, D), D),
        "w_gate": init(ks[2], (E, F, D), D),
        "w_up": init(ks[3], (E, F, D), D),
        "w_down": init(ks[4], (E, D, F), F),
        "sw_gate": init(ks[5], (SF, D), D),
        "sw_up": init(ks[6], (SF, D), D),
        "sw_down": init(ks[7], (D, SF), SF),
        "shared_gate_w": init(ks[8], (1, D), D),
    }


def reference(hidden_states, router_weight, w_gate, w_up, w_down, sw_gate, sw_up, sw_down, shared_gate_w):
    b, s, d = hidden_states.shape
    x = hidden_states.reshape(-1, d)
    T = x.shape[0]

    # --- Qwen3_5MoeTopKRouter ---
    router_logits = x @ router_weight.T                      # [T, E]
    probs = jax.nn.softmax(router_logits.astype(jnp.float32), axis=-1)
    top_v, top_i = jax.lax.top_k(probs, TOP_K)               # [T, K]
    top_v = top_v / jnp.sum(top_v, axis=-1, keepdims=True)   # renormalize (router-side)
    topk_weights = top_v.astype(probs.dtype)

    # --- Fused MoE experts (renormalize=False; weights already normalized) ---
    # combine weights as dense [T, E] via scatter-add of top-k weights
    comb = jnp.zeros((T, E), dtype=jnp.float32).at[
        jnp.arange(T)[:, None], top_i
    ].add(topk_weights)
    hg = jnp.einsum('td,efd->tef', x, w_gate)                # [T, E, F]
    hu = jnp.einsum('td,efd->tef', x, w_up)                  # [T, E, F]
    h = jax.nn.silu(hg) * hu                                 # SwiGLU
    expert_out = jnp.einsum('tef,edf->ted', h, w_down)       # [T, E, D]
    out_states = jnp.einsum('te,ted->td', comb, expert_out)  # [T, D]

    # --- Shared expert (Qwen3_5MLP) + sigmoid gate ---
    sh = jax.nn.silu(x @ sw_gate.T) * (x @ sw_up.T)          # [T, SF]
    shared_states = sh @ sw_down.T                           # [T, D]
    gate = jax.nn.sigmoid(x @ shared_gate_w.T)               # [T, 1]
    out_states = out_states + gate * shared_states

    return out_states.reshape(b, s, -1)

if __name__ == "__main__":
    import jax
    _d = setup_inputs()
    print(jax.jit(kernel)(*tuple(_d.values())))

</pallas_src>

<mosaic_0001>
#map = affine_map<(d0, d1) -> (0, 0)>
#map1 = affine_map<(d0, d1) -> (0)>
module attributes {stable_mosaic.version = 14 : i64} {
  func.func @k(%arg0: i32, %arg1: i32, %arg2: memref<2048x1024xf32, #tpu.memory_space<hbm>>, %arg3: memref<4096xi32, #tpu.memory_space<hbm>>, %arg4: memref<5888x1024xf32, #tpu.memory_space<hbm>>, %arg5: memref<64xi32, #tpu.memory_space<vmem>>, %arg6: memref<64x1024xf32, #tpu.memory_space<vmem>>, %arg7: memref<!tpu.dma_semaphore, #tpu.memory_space<semaphore_mem>>) attributes {dimension_semantics = [#tpu.dimension_semantics<core_parallel>, #tpu.dimension_semantics<subcore_parallel>], iteration_bounds = array<i64: 2, 16>, scalar_prefetch = 0 : i64, scratch_operands = 3 : i64, tpu.core_type = #tpu.core_type<sc_vector_subcore>, window_params = [{transform_indices = #map}, {transform_indices = #map1}, {transform_indices = #map}]} {
    %mul3A = arith.constant 2 : i32
    %mul3A_0 = arith.muli %arg1, %mul3A : i32
    %add3A = arith.addi %mul3A_0, %arg0 : i32
    %mul3A_1 = arith.constant 128 : i32
    %mul3A_2 = arith.muli %add3A, %mul3A_1 : i32
    %ge3A = arith.constant 2048 : i32
    %ge3A_3 = arith.cmpi sge, %mul3A_2, %ge3A : i32
    %jit3A = arith.constant 2048 : i32
    %jit3A_4 = arith.constant 0 : i32
    %select_n3A = arith.select %ge3A_3, %jit3A, %jit3A_4 : i32
    %sub3A = arith.subi %mul3A_2, %select_n3A : i32
    %multiple_of3A = tpu.assume_multiple %sub3A, 128 : i32
    %add3A_5 = arith.constant 0 : i32
    %add3A_6 = arith.addi %mul3A_2, %add3A_5 : i32
    "tpu.region"() ({
      %run_scoped3A = tpu.sem_alloc : memref<!tpu.dma_semaphore, #tpu.memory_space<semaphore_mem>>
      %dma_start3A_23 = tpu.memref_slice %arg3[%add3A_6] : memref<4096xi32, #tpu.memory_space<hbm>> -> memref<64xi32, #tpu.memory_space<hbm>>
      %dma_start3A_24 = tpu.memref_slice %arg3[%add3A_6] : memref<4096xi32, #tpu.memory_space<hbm>> -> memref<64xi32, #tpu.memory_space<hbm>>
      tpu.enqueue_dma source(%dma_start3A_24 : memref<64xi32, #tpu.memory_space<hbm>>) target(%arg5 : memref<64xi32, #tpu.memory_space<vmem>>) target_semaphore(%run_scoped3A : memref<!tpu.dma_semaphore, #tpu.memory_space<semaphore_mem>>)
      %dma_wait3A_25 = tpu.memref_slice %arg3[%add3A_6] : memref<4096xi32, #tpu.memory_space<hbm>> -> memref<64xi32, #tpu.memory_space<hbm>>
      %dma_wait3A_26 = tpu.memref_slice %arg3[%add3A_6] : memref<4096xi32, #tpu.memory_space<hbm>> -> memref<64xi32, #tpu.memory_space<hbm>>
      tpu.wait_dma2 semaphore(%run_scoped3A : memref<!tpu.dma_semaphore, #tpu.memory_space<semaphore_mem>>) src(%dma_wait3A_26 : memref<64xi32, #tpu.memory_space<hbm>>) dst(%arg5 : memref<64xi32, #tpu.memory_space<vmem>>)
      tpu.yield
    }) : () -> ()
    %add3A_7 = arith.constant 0 : i32
    %add3A_8 = arith.addi %multiple_of3A, %add3A_7 : i32
    "tpu.region"() ({
      %run_scoped3A = tpu.sem_alloc : memref<!tpu.dma_semaphore, #tpu.memory_space<semaphore_mem>>
      %dma_start3A_23 = arith.constant 0 : i32
      %dma_start3A_24 = tpu.memref_slice %arg2[%add3A_8, %dma_start3A_23] : memref<2048x1024xf32, #tpu.memory_space<hbm>> -> memref<64x1024xf32, #tpu.memory_space<hbm>>
      %dma_start3A_25 = arith.constant 0 : i32
      %dma_start3A_26 = tpu.memref_slice %arg2[%add3A_8, %dma_start3A_25] : memref<2048x1024xf32, #tpu.memory_space<hbm>> -> memref<64x1024xf32, #tpu.memory_space<hbm>>
      tpu.enqueue_dma source(%dma_start3A_26 : memref<64x1024xf32, #tpu.memory_space<hbm>>) target(%arg6 : memref<64x1024xf32, #tpu.memory_space<vmem>>) target_semaphore(%run_scoped3A : memref<!tpu.dma_semaphore, #tpu.memory_space<semaphore_mem>>)
      %dma_wait3A_27 = arith.constant 0 : i32
      %dma_wait3A_28 = tpu.memref_slice %arg2[%add3A_8, %dma_wait3A_27] : memref<2048x1024xf32, #tpu.memory_space<hbm>> -> memref<64x1024xf32, #tpu.memory_space<hbm>>
      %dma_wait3A_29 = arith.constant 0 : i32
      %dma_wait3A_30 = tpu.memref_slice %arg2[%add3A_8, %dma_wait3A_29] : memref<2048x1024xf32, #tpu.memory_space<hbm>> -> memref<64x1024xf32, #tpu.memory_space<hbm>>
      tpu.wait_dma2 semaphore(%run_scoped3A : memref<!tpu.dma_semaphore, #tpu.memory_space<semaphore_mem>>) src(%dma_wait3A_30 : memref<64x1024xf32, #tpu.memory_space<hbm>>) dst(%arg6 : memref<64x1024xf32, #tpu.memory_space<vmem>>)
      tpu.yield
    }) : () -> ()
    %dma_start3A = arith.constant 0 : i32
    %dma_start3A_9 = arith.constant 0 : i32
    %dma_start3A_10 = tpu.memref_slice %arg4[%dma_start3A, %dma_start3A_9] : memref<5888x1024xf32, #tpu.memory_space<hbm>> -> memref<5888x1024xf32, #tpu.memory_space<hbm>>
    tpu.enqueue_indirect_dma source(%arg6 : memref<64x1024xf32, #tpu.memory_space<vmem>>) target(%dma_start3A_10 : memref<5888x1024xf32, #tpu.memory_space<hbm>>) offsets(%arg5 : memref<64xi32, #tpu.memory_space<vmem>>) semaphore(%arg7 : memref<!tpu.dma_semaphore, #tpu.memory_space<semaphore_mem>>)
    %dma_wait3A = arith.constant 0 : i32
    %dma_wait3A_11 = arith.constant 0 : i32
    %dma_wait3A_12 = tpu.memref_slice %arg4[%dma_wait3A, %dma_wait3A_11] : memref<5888x1024xf32, #tpu.memory_space<hbm>> -> memref<5888x1024xf32, #tpu.memory_space<hbm>>
    tpu.wait_indirect_dma semaphore(%arg7 : memref<!tpu.dma_semaphore, #tpu.memory_space<semaphore_mem>>) src(%arg6 : memref<64x1024xf32, #tpu.memory_space<vmem>>) dst(%dma_wait3A_12 : memref<5888x1024xf32, #tpu.memory_space<hbm>>)
    %add3A_13 = arith.constant 64 : i32
    %add3A_14 = arith.addi %mul3A_2, %add3A_13 : i32
    "tpu.region"() ({
      %run_scoped3A = tpu.sem_alloc : memref<!tpu.dma_semaphore, #tpu.memory_space<semaphore_mem>>
      %dma_start3A_23 = tpu.memref_slice %arg3[%add3A_14] : memref<4096xi32, #tpu.memory_space<hbm>> -> memref<64xi32, #tpu.memory_space<hbm>>
      %dma_start3A_24 = tpu.memref_slice %arg3[%add3A_14] : memref<4096xi32, #tpu.memory_space<hbm>> -> memref<64xi32, #tpu.memory_space<hbm>>
      tpu.enqueue_dma source(%dma_start3A_24 : memref<64xi32, #tpu.memory_space<hbm>>) target(%arg5 : memref<64xi32, #tpu.memory_space<vmem>>) target_semaphore(%run_scoped3A : memref<!tpu.dma_semaphore, #tpu.memory_space<semaphore_mem>>)
      %dma_wait3A_25 = tpu.memref_slice %arg3[%add3A_14] : memref<4096xi32, #tpu.memory_space<hbm>> -> memref<64xi32, #tpu.memory_space<hbm>>
      %dma_wait3A_26 = tpu.memref_slice %arg3[%add3A_14] : memref<4096xi32, #tpu.memory_space<hbm>> -> memref<64xi32, #tpu.memory_space<hbm>>
      tpu.wait_dma2 semaphore(%run_scoped3A : memref<!tpu.dma_semaphore, #tpu.memory_space<semaphore_mem>>) src(%dma_wait3A_26 : memref<64xi32, #tpu.memory_space<hbm>>) dst(%arg5 : memref<64xi32, #tpu.memory_space<vmem>>)
      tpu.yield
    }) : () -> ()
    %add3A_15 = arith.constant 64 : i32
    %add3A_16 = arith.addi %multiple_of3A, %add3A_15 : i32
    "tpu.region"() ({
      %run_scoped3A = tpu.sem_alloc : memref<!tpu.dma_semaphore, #tpu.memory_space<semaphore_mem>>
      %dma_start3A_23 = arith.constant 0 : i32
      %dma_start3A_24 = tpu.memref_slice %arg2[%add3A_16, %dma_start3A_23] : memref<2048x1024xf32, #tpu.memory_space<hbm>> -> memref<64x1024xf32, #tpu.memory_space<hbm>>
      %dma_start3A_25 = arith.constant 0 : i32
      %dma_start3A_26 = tpu.memref_slice %arg2[%add3A_16, %dma_start3A_25] : memref<2048x1024xf32, #tpu.memory_space<hbm>> -> memref<64x1024xf32, #tpu.memory_space<hbm>>
      tpu.enqueue_dma source(%dma_start3A_26 : memref<64x1024xf32, #tpu.memory_space<hbm>>) target(%arg6 : memref<64x1024xf32, #tpu.memory_space<vmem>>) target_semaphore(%run_scoped3A : memref<!tpu.dma_semaphore, #tpu.memory_space<semaphore_mem>>)
      %dma_wait3A_27 = arith.constant 0 : i32
      %dma_wait3A_28 = tpu.memref_slice %arg2[%add3A_16, %dma_wait3A_27] : memref<2048x1024xf32, #tpu.memory_space<hbm>> -> memref<64x1024xf32, #tpu.memory_space<hbm>>
      %dma_wait3A_29 = arith.constant 0 : i32
      %dma_wait3A_30 = tpu.memref_slice %arg2[%add3A_16, %dma_wait3A_29] : memref<2048x1024xf32, #tpu.memory_space<hbm>> -> memref<64x1024xf32, #tpu.memory_space<hbm>>
      tpu.wait_dma2 semaphore(%run_scoped3A : memref<!tpu.dma_semaphore, #tpu.memory_space<semaphore_mem>>) src(%dma_wait3A_30 : memref<64x1024xf32, #tpu.memory_space<hbm>>) dst(%arg6 : memref<64x1024xf32, #tpu.memory_space<vmem>>)
      tpu.yield
    }) : () -> ()
    %dma_start3A_17 = arith.constant 0 : i32
    %dma_start3A_18 = arith.constant 0 : i32
    %dma_start3A_19 = tpu.memref_slice %arg4[%dma_start3A_17, %dma_start3A_18] : memref<5888x1024xf32, #tpu.memory_space<hbm>> -> memref<5888x1024xf32, #tpu.memory_space<hbm>>
    tpu.enqueue_indirect_dma source(%arg6 : memref<64x1024xf32, #tpu.memory_space<vmem>>) target(%dma_start3A_19 : memref<5888x1024xf32, #tpu.memory_space<hbm>>) offsets(%arg5 : memref<64xi32, #tpu.memory_space<vmem>>) semaphore(%arg7 : memref<!tpu.dma_semaphore, #tpu.memory_space<semaphore_mem>>)
    %dma_wait3A_20 = arith.constant 0 : i32
    %dma_wait3A_21 = arith.constant 0 : i32
    %dma_wait3A_22 = tpu.memref_slice %arg4[%dma_wait3A_20, %dma_wait3A_21] : memref<5888x1024xf32, #tpu.memory_space<hbm>> -> memref<5888x1024xf32, #tpu.memory_space<hbm>>
    tpu.wait_indirect_dma semaphore(%arg7 : memref<!tpu.dma_semaphore, #tpu.memory_space<semaphore_mem>>) src(%arg6 : memref<64x1024xf32, #tpu.memory_space<vmem>>) dst(%dma_wait3A_22 : memref<5888x1024xf32, #tpu.memory_space<hbm>>)
    return
  }
}

#map = affine_map<(d0, d1) -> (0, 0)>
#map1 = affine_map<(d0, d1) -> (0)>
module attributes {stable_mosaic.version = 14 : i64} {
  func.func @k(%arg0: i32, %arg1: i32, %arg2: memref<5888x512xi32, #tpu.memory_space<hbm>>, %arg3: memref<4096xi32, #tpu.memory_space<hbm>>, %arg4: memref<2048x512xi32, #tpu.memory_space<hbm>>, %arg5: memref<2048x512xi32, #tpu.memory_space<hbm>>, %arg6: memref<64xi32, #tpu.memory_space<vmem>>, %arg7: memref<64x512xi32, #tpu.memory_space<vmem>>, %arg8: memref<!tpu.dma_semaphore, #tpu.memory_space<semaphore_mem>>) attributes {dimension_semantics = [#tpu.dimension_semantics<core_parallel>, #tpu.dimension_semantics<subcore_parallel>], iteration_bounds = array<i64: 2, 16>, scalar_prefetch = 0 : i64, scratch_operands = 3 : i64, tpu.core_type = #tpu.core_type<sc_vector_subcore>, window_params = [{transform_indices = #map}, {transform_indices = #map1}, {transform_indices = #map}, {transform_indices = #map}]} {
    %mul3A = arith.constant 2 : i32
    %mul3A_0 = arith.muli %arg1, %mul3A : i32
    %add3A = arith.addi %mul3A_0, %arg0 : i32
    %mul3A_1 = arith.constant 128 : i32
    %mul3A_2 = arith.muli %add3A, %mul3A_1 : i32
    %add3A_3 = arith.constant 0 : i32
    %add3A_4 = arith.addi %mul3A_2, %add3A_3 : i32
    "tpu.region"() ({
      %run_scoped3A = tpu.sem_alloc : memref<!tpu.dma_semaphore, #tpu.memory_space<semaphore_mem>>
      %dma_start3A_33 = tpu.memref_slice %arg3[%add3A_4] : memref<4096xi32, #tpu.memory_space<hbm>> -> memref<64xi32, #tpu.memory_space<hbm>>
      %dma_start3A_34 = tpu.memref_slice %arg3[%add3A_4] : memref<4096xi32, #tpu.memory_space<hbm>> -> memref<64xi32, #tpu.memory_space<hbm>>
      tpu.enqueue_dma source(%dma_start3A_34 : memref<64xi32, #tpu.memory_space<hbm>>) target(%arg6 : memref<64xi32, #tpu.memory_space<vmem>>) target_semaphore(%run_scoped3A : memref<!tpu.dma_semaphore, #tpu.memory_space<semaphore_mem>>)
      %dma_wait3A_35 = tpu.memref_slice %arg3[%add3A_4] : memref<4096xi32, #tpu.memory_space<hbm>> -> memref<64xi32, #tpu.memory_space<hbm>>
      %dma_wait3A_36 = tpu.memref_slice %arg3[%add3A_4] : memref<4096xi32, #tpu.memory_space<hbm>> -> memref<64xi32, #tpu.memory_space<hbm>>
      tpu.wait_dma2 semaphore(%run_scoped3A : memref<!tpu.dma_semaphore, #tpu.memory_space<semaphore_mem>>) src(%dma_wait3A_36 : memref<64xi32, #tpu.memory_space<hbm>>) dst(%arg6 : memref<64xi32, #tpu.memory_space<vmem>>)
      tpu.yield
    }) : () -> ()
    %dma_start3A = arith.constant 0 : i32
    %dma_start3A_5 = arith.constant 0 : i32
    %dma_start3A_6 = tpu.memref_slice %arg2[%dma_start3A, %dma_start3A_5] : memref<5888x512xi32, #tpu.memory_space<hbm>> -> memref<5888x512xi32, #tpu.memory_space<hbm>>
    tpu.enqueue_indirect_dma source(%dma_start3A_6 : memref<5888x512xi32, #tpu.memory_space<hbm>>) target(%arg7 : memref<64x512xi32, #tpu.memory_space<vmem>>) offsets(%arg6 : memref<64xi32, #tpu.memory_space<vmem>>) semaphore(%arg8 : memref<!tpu.dma_semaphore, #tpu.memory_space<semaphore_mem>>)
    %dma_wait3A = arith.constant 0 : i32
    %dma_wait3A_7 = arith.constant 0 : i32
    %dma_wait3A_8 = tpu.memref_slice %arg2[%dma_wait3A, %dma_wait3A_7] : memref<5888x512xi32, #tpu.memory_space<hbm>> -> memref<5888x512xi32, #tpu.memory_space<hbm>>
    tpu.wait_indirect_dma semaphore(%arg8 : memref<!tpu.dma_semaphore, #tpu.memory_space<semaphore_mem>>) src(%dma_wait3A_8 : memref<5888x512xi32, #tpu.memory_space<hbm>>) dst(%arg7 : memref<64x512xi32, #tpu.memory_space<vmem>>)
    %lt3A = arith.constant 2048 : i32
    %lt3A_9 = arith.cmpi slt, %mul3A_2, %lt3A : i32
    %convert_element_type3A = arith.extui %lt3A_9 : i1 to i32
    %cond3A = arith.constant 0 : i32
    %cond3A_10 = arith.cmpi ne, %convert_element_type3A, %cond3A : i32
    scf.if %cond3A_10 {
      "tpu.region"() ({
        %run_scoped3A = tpu.sem_alloc : memref<!tpu.dma_semaphore, #tpu.memory_space<semaphore_mem>>
        %dma_start3A_33 = arith.constant 0 : i32
        %dma_start3A_34 = tpu.memref_slice %arg4[%add3A_4, %dma_start3A_33] : memref<2048x512xi32, #tpu.memory_space<hbm>> -> memref<64x512xi32, #tpu.memory_space<hbm>>
        %dma_start3A_35 = arith.constant 0 : i32
        %dma_start3A_36 = tpu.memref_slice %arg4[%add3A_4, %dma_start3A_35] : memref<2048x512xi32, #tpu.memory_space<hbm>> -> memref<64x512xi32, #tpu.memory_space<hbm>>
        tpu.enqueue_dma source(%arg7 : memref<64x512xi32, #tpu.memory_space<vmem>>) target(%dma_start3A_36 : memref<64x512xi32, #tpu.memory_space<hbm>>) target_semaphore(%run_scoped3A : memref<!tpu.dma_semaphore, #tpu.memory_space<semaphore_mem>>)
        %dma_wait3A_37 = arith.constant 0 : i32
        %dma_wait3A_38 = tpu.memref_slice %arg4[%add3A_4, %dma_wait3A_37] : memref<2048x512xi32, #tpu.memory_space<hbm>> -> memref<64x512xi32, #tpu.memory_space<hbm>>
        %dma_wait3A_39 = arith.constant 0 : i32
        %dma_wait3A_40 = tpu.memref_slice %arg4[%add3A_4, %dma_wait3A_39] : memref<2048x512xi32, #tpu.memory_space<hbm>> -> memref<64x512xi32, #tpu.memory_space<hbm>>
        tpu.wait_dma2 semaphore(%run_scoped3A : memref<!tpu.dma_semaphore, #tpu.memory_space<semaphore_mem>>) src(%arg7 : memref<64x512xi32, #tpu.memory_space<vmem>>) dst(%dma_wait3A_40 : memref<64x512xi32, #tpu.memory_space<hbm>>)
        tpu.yield
      }) : () -> ()
    } else {
    }
    %ge3A = arith.constant 2048 : i32
    %ge3A_11 = arith.cmpi sge, %mul3A_2, %ge3A : i32
    %convert_element_type3A_12 = arith.extui %ge3A_11 : i1 to i32
    %cond3A_13 = arith.constant 0 : i32
    %cond3A_14 = arith.cmpi ne, %convert_element_type3A_12, %cond3A_13 : i32
    scf.if %cond3A_14 {
      %sub3A = arith.constant 2048 : i32
      %sub3A_33 = arith.subi %add3A_4, %sub3A : i32
      %max3A = arith.constant 0 : i32
      %max3A_34 = arith.maxsi %sub3A_33, %max3A : i32
      %multiple_of3A = tpu.assume_multiple %max3A_34, 64 : i32
      "tpu.region"() ({
        %run_scoped3A = tpu.sem_alloc : memref<!tpu.dma_semaphore, #tpu.memory_space<semaphore_mem>>
        %dma_start3A_35 = arith.constant 0 : i32
        %dma_start3A_36 = tpu.memref_slice %arg5[%multiple_of3A, %dma_start3A_35] : memref<2048x512xi32, #tpu.memory_space<hbm>> -> memref<64x512xi32, #tpu.memory_space<hbm>>
        %dma_start3A_37 = arith.constant 0 : i32
        %dma_start3A_38 = tpu.memref_slice %arg5[%multiple_of3A, %dma_start3A_37] : memref<2048x512xi32, #tpu.memory_space<hbm>> -> memref<64x512xi32, #tpu.memory_space<hbm>>
        tpu.enqueue_dma source(%arg7 : memref<64x512xi32, #tpu.memory_space<vmem>>) target(%dma_start3A_38 : memref<64x512xi32, #tpu.memory_space<hbm>>) target_semaphore(%run_scoped3A : memref<!tpu.dma_semaphore, #tpu.memory_space<semaphore_mem>>)
        %dma_wait3A_39 = arith.constant 0 : i32
        %dma_wait3A_40 = tpu.memref_slice %arg5[%multiple_of3A, %dma_wait3A_39] : memref<2048x512xi32, #tpu.memory_space<hbm>> -> memref<64x512xi32, #tpu.memory_space<hbm>>
        %dma_wait3A_41 = arith.constant 0 : i32
        %dma_wait3A_42 = tpu.memref_slice %arg5[%multiple_of3A, %dma_wait3A_41] : memref<2048x512xi32, #tpu.memory_space<hbm>> -> memref<64x512xi32, #tpu.memory_space<hbm>>
        tpu.wait_dma2 semaphore(%run_scoped3A : memref<!tpu.dma_semaphore, #tpu.memory_space<semaphore_mem>>) src(%arg7 : memref<64x512xi32, #tpu.memory_space<vmem>>) dst(%dma_wait3A_42 : memref<64x512xi32, #tpu.memory_space<hbm>>)
        tpu.yield
      }) : () -> ()
    } else {
    }
    %add3A_15 = arith.constant 64 : i32
    %add3A_16 = arith.addi %mul3A_2, %add3A_15 : i32
    "tpu.region"() ({
      %run_scoped3A = tpu.sem_alloc : memref<!tpu.dma_semaphore, #tpu.memory_space<semaphore_mem>>
      %dma_start3A_33 = tpu.memref_slice %arg3[%add3A_16] : memref<4096xi32, #tpu.memory_space<hbm>> -> memref<64xi32, #tpu.memory_space<hbm>>
      %dma_start3A_34 = tpu.memref_slice %arg3[%add3A_16] : memref<4096xi32, #tpu.memory_space<hbm>> -> memref<64xi32, #tpu.memory_space<hbm>>
      tpu.enqueue_dma source(%dma_start3A_34 : memref<64xi32, #tpu.memory_space<hbm>>) target(%arg6 : memref<64xi32, #tpu.memory_space<vmem>>) target_semaphore(%run_scoped3A : memref<!tpu.dma_semaphore, #tpu.memory_space<semaphore_mem>>)
      %dma_wait3A_35 = tpu.memref_slice %arg3[%add3A_16] : memref<4096xi32, #tpu.memory_space<hbm>> -> memref<64xi32, #tpu.memory_space<hbm>>
      %dma_wait3A_36 = tpu.memref_slice %arg3[%add3A_16] : memref<4096xi32, #tpu.memory_space<hbm>> -> memref<64xi32, #tpu.memory_space<hbm>>
      tpu.wait_dma2 semaphore(%run_scoped3A : memref<!tpu.dma_semaphore, #tpu.memory_space<semaphore_mem>>) src(%dma_wait3A_36 : memref<64xi32, #tpu.memory_space<hbm>>) dst(%arg6 : memref<64xi32, #tpu.memory_space<vmem>>)
      tpu.yield
    }) : () -> ()
    %dma_start3A_17 = arith.constant 0 : i32
    %dma_start3A_18 = arith.constant 0 : i32
    %dma_start3A_19 = tpu.memref_slice %arg2[%dma_start3A_17, %dma_start3A_18] : memref<5888x512xi32, #tpu.memory_space<hbm>> -> memref<5888x512xi32, #tpu.memory_space<hbm>>
    tpu.enqueue_indirect_dma source(%dma_start3A_19 : memref<5888x512xi32, #tpu.memory_space<hbm>>) target(%arg7 : memref<64x512xi32, #tpu.memory_space<vmem>>) offsets(%arg6 : memref<64xi32, #tpu.memory_space<vmem>>) semaphore(%arg8 : memref<!tpu.dma_semaphore, #tpu.memory_space<semaphore_mem>>)
    %dma_wait3A_20 = arith.constant 0 : i32
    %dma_wait3A_21 = arith.constant 0 : i32
    %dma_wait3A_22 = tpu.memref_slice %arg2[%dma_wait3A_20, %dma_wait3A_21] : memref<5888x512xi32, #tpu.memory_space<hbm>> -> memref<5888x512xi32, #tpu.memory_space<hbm>>
    tpu.wait_indirect_dma semaphore(%arg8 : memref<!tpu.dma_semaphore, #tpu.memory_space<semaphore_mem>>) src(%dma_wait3A_22 : memref<5888x512xi32, #tpu.memory_space<hbm>>) dst(%arg7 : memref<64x512xi32, #tpu.memory_space<vmem>>)
    %lt3A_23 = arith.constant 2048 : i32
    %lt3A_24 = arith.cmpi slt, %mul3A_2, %lt3A_23 : i32
    %convert_element_type3A_25 = arith.extui %lt3A_24 : i1 to i32
    %cond3A_26 = arith.constant 0 : i32
    %cond3A_27 = arith.cmpi ne, %convert_element_type3A_25, %cond3A_26 : i32
    scf.if %cond3A_27 {
      "tpu.region"() ({
        %run_scoped3A = tpu.sem_alloc : memref<!tpu.dma_semaphore, #tpu.memory_space<semaphore_mem>>
        %dma_start3A_33 = arith.constant 0 : i32
        %dma_start3A_34 = tpu.memref_slice %arg4[%add3A_16, %dma_start3A_33] : memref<2048x512xi32, #tpu.memory_space<hbm>> -> memref<64x512xi32, #tpu.memory_space<hbm>>
        %dma_start3A_35 = arith.constant 0 : i32
        %dma_start3A_36 = tpu.memref_slice %arg4[%add3A_16, %dma_start3A_35] : memref<2048x512xi32, #tpu.memory_space<hbm>> -> memref<64x512xi32, #tpu.memory_space<hbm>>
        tpu.enqueue_dma source(%arg7 : memref<64x512xi32, #tpu.memory_space<vmem>>) target(%dma_start3A_36 : memref<64x512xi32, #tpu.memory_space<hbm>>) target_semaphore(%run_scoped3A : memref<!tpu.dma_semaphore, #tpu.memory_space<semaphore_mem>>)
        %dma_wait3A_37 = arith.constant 0 : i32
        %dma_wait3A_38 = tpu.memref_slice %arg4[%add3A_16, %dma_wait3A_37] : memref<2048x512xi32, #tpu.memory_space<hbm>> -> memref<64x512xi32, #tpu.memory_space<hbm>>
        %dma_wait3A_39 = arith.constant 0 : i32
        %dma_wait3A_40 = tpu.memref_slice %arg4[%add3A_16, %dma_wait3A_39] : memref<2048x512xi32, #tpu.memory_space<hbm>> -> memref<64x512xi32, #tpu.memory_space<hbm>>
        tpu.wait_dma2 semaphore(%run_scoped3A : memref<!tpu.dma_semaphore, #tpu.memory_space<semaphore_mem>>) src(%arg7 : memref<64x512xi32, #tpu.memory_space<vmem>>) dst(%dma_wait3A_40 : memref<64x512xi32, #tpu.memory_space<hbm>>)
        tpu.yield
      }) : () -> ()
    } else {
    }
    %ge3A_28 = arith.constant 2048 : i32
    %ge3A_29 = arith.cmpi sge, %mul3A_2, %ge3A_28 : i32
    %convert_element_type3A_30 = arith.extui %ge3A_29 : i1 to i32
    %cond3A_31 = arith.constant 0 : i32
    %cond3A_32 = arith.cmpi ne, %convert_element_type3A_30, %cond3A_31 : i32
    scf.if %cond3A_32 {
      %sub3A = arith.constant 2048 : i32
      %sub3A_33 = arith.subi %add3A_16, %sub3A : i32
      %max3A = arith.constant 0 : i32
      %max3A_34 = arith.maxsi %sub3A_33, %max3A : i32
      %multiple_of3A = tpu.assume_multiple %max3A_34, 64 : i32
      "tpu.region"() ({
        %run_scoped3A = tpu.sem_alloc : memref<!tpu.dma_semaphore, #tpu.memory_space<semaphore_mem>>
        %dma_start3A_35 = arith.constant 0 : i32
        %dma_start3A_36 = tpu.memref_slice %arg5[%multiple_of3A, %dma_start3A_35] : memref<2048x512xi32, #tpu.memory_space<hbm>> -> memref<64x512xi32, #tpu.memory_space<hbm>>
        %dma_start3A_37 = arith.constant 0 : i32
        %dma_start3A_38 = tpu.memref_slice %arg5[%multiple_of3A, %dma_start3A_37] : memref<2048x512xi32, #tpu.memory_space<hbm>> -> memref<64x512xi32, #tpu.memory_space<hbm>>
        tpu.enqueue_dma source(%arg7 : memref<64x512xi32, #tpu.memory_space<vmem>>) target(%dma_start3A_38 : memref<64x512xi32, #tpu.memory_space<hbm>>) target_semaphore(%run_scoped3A : memref<!tpu.dma_semaphore, #tpu.memory_space<semaphore_mem>>)
        %dma_wait3A_39 = arith.constant 0 : i32
        %dma_wait3A_40 = tpu.memref_slice %arg5[%multiple_of3A, %dma_wait3A_39] : memref<2048x512xi32, #tpu.memory_space<hbm>> -> memref<64x512xi32, #tpu.memory_space<hbm>>
        %dma_wait3A_41 = arith.constant 0 : i32
        %dma_wait3A_42 = tpu.memref_slice %arg5[%multiple_of3A, %dma_wait3A_41] : memref<2048x512xi32, #tpu.memory_space<hbm>> -> memref<64x512xi32, #tpu.memory_space<hbm>>
        tpu.wait_dma2 semaphore(%run_scoped3A : memref<!tpu.dma_semaphore, #tpu.memory_space<semaphore_mem>>) src(%arg7 : memref<64x512xi32, #tpu.memory_space<vmem>>) dst(%dma_wait3A_42 : memref<64x512xi32, #tpu.memory_space<hbm>>)
        tpu.yield
      }) : () -> ()
    } else {
    }
    return
  }
}

module attributes {stable_mosaic.version = 14 : i64} {
  func.func @_router_plan_body(%arg0: memref<2048x1024xf32, #tpu.memory_space<vmem>>, %arg1: memref<8x1024xf32, #tpu.memory_space<vmem>>, %arg2: memref<1x4096xf32, #tpu.memory_space<vmem>>, %arg3: memref<1x4096xi32, #tpu.memory_space<vmem>>, %arg4: memref<1x23xi32, #tpu.memory_space<vmem>>, %arg5: memref<1x23xi32, #tpu.memory_space<vmem>>, %arg6: memref<1x23xi32, #tpu.memory_space<vmem>>) attributes {dimension_semantics = [], scalar_prefetch = 0 : i64, scratch_operands = 0 : i64, tpu.core_type = #tpu.core_type<tc>} {
    %get3A = arith.constant 0 : index
    %get3A_0 = arith.constant 0 : index
    %get3A_1 = vector.load %arg0[%get3A, %get3A_0] : memref<2048x1024xf32, #tpu.memory_space<vmem>>, vector<2048x1024xf32>
    %get3A_2 = arith.constant 0 : index
    %get3A_3 = arith.constant 0 : index
    %get3A_4 = vector.load %arg1[%get3A_2, %get3A_3] : memref<8x1024xf32, #tpu.memory_space<vmem>>, vector<8x1024xf32>
    %dot_general3A = arith.constant dense<0.000000e+00> : vector<8x2048xf32>
    %dot_general3A_5 = tpu.matmul %get3A_4, %get3A_1, %dot_general3A {dimension_numbers = #tpu.dot_dimension_numbers<[1], [1], [0], [0], [0, 0, 1, 0], [], []>, transpose_lhs_hint = false} : vector<8x1024xf32>, vector<2048x1024xf32>, vector<8x2048xf32> -> vector<8x2048xf32>
    %iota3A = tpu.iota {dimensions = array<i32: 0>} : vector<8x2048xi32>
    %reduce_max3A = arith.constant dense<0xFF800000> : vector<2048xf32>
    %reduce_max3A_6 = vector.multi_reduction <maximumf>, %dot_general3A_5, %reduce_max3A [0] : vector<8x2048xf32> to vector<2048xf32>
    %broadcast_in_dim3A = vector.shape_cast %reduce_max3A_6 : vector<2048xf32> to vector<1x2048xf32>
    %eq3A = vector.broadcast %broadcast_in_dim3A : vector<1x2048xf32> to vector<8x2048xf32>
    %eq3A_7 = arith.cmpf oeq, %dot_general3A_5, %eq3A : vector<8x2048xf32>
    %jit3A = arith.constant 8 : i32
    %broadcast_in_dim3A_8 = vector.broadcast %jit3A : i32 to vector<8x2048xi32>
    %select_n3A = arith.select %eq3A_7, %iota3A, %broadcast_in_dim3A_8 : vector<8x2048xi1>, vector<8x2048xi32>
    %reduce_min3A = arith.constant dense<2147483647> : vector<2048xi32>
    %reduce_min3A_9 = vector.multi_reduction <minsi>, %select_n3A, %reduce_min3A [0] : vector<8x2048xi32> to vector<2048xi32>
    %broadcast_in_dim3A_10 = vector.shape_cast %reduce_min3A_9 : vector<2048xi32> to vector<1x2048xi32>
    %eq3A_11 = vector.broadcast %broadcast_in_dim3A_10 : vector<1x2048xi32> to vector<8x2048xi32>
    %eq3A_12 = arith.cmpi eq, %iota3A, %eq3A_11 : vector<8x2048xi32>
    %jit3A_13 = arith.constant -1.000000e+30 : f32
    %broadcast_in_dim3A_14 = vector.broadcast %jit3A_13 : f32 to vector<8x2048xf32>
    %select_n3A_15 = arith.select %eq3A_12, %broadcast_in_dim3A_14, %dot_general3A_5 : vector<8x2048xi1>, vector<8x2048xf32>
    %reduce_max3A_16 = arith.constant dense<0xFF800000> : vector<2048xf32>
    %reduce_max3A_17 = vector.multi_reduction <maximumf>, %select_n3A_15, %reduce_max3A_16 [0] : vector<8x2048xf32> to vector<2048xf32>
    %broadcast_in_dim3A_18 = vector.shape_cast %reduce_max3A_17 : vector<2048xf32> to vector<1x2048xf32>
    %eq3A_19 = vector.broadcast %broadcast_in_dim3A_18 : vector<1x2048xf32> to vector<8x2048xf32>
    %eq3A_20 = arith.cmpf oeq, %select_n3A_15, %eq3A_19 : vector<8x2048xf32>
    %jit3A_21 = arith.constant 8 : i32
    %broadcast_in_dim3A_22 = vector.broadcast %jit3A_21 : i32 to vector<8x2048xi32>
    %select_n3A_23 = arith.select %eq3A_20, %iota3A, %broadcast_in_dim3A_22 : vector<8x2048xi1>, vector<8x2048xi32>
    %reduce_min3A_24 = arith.constant dense<2147483647> : vector<2048xi32>
    %reduce_min3A_25 = vector.multi_reduction <minsi>, %select_n3A_23, %reduce_min3A_24 [0] : vector<8x2048xi32> to vector<2048xi32>
    %broadcast_in_dim3A_26 = vector.shape_cast %reduce_min3A_25 : vector<2048xi32> to vector<1x2048xi32>
    %sub3A = arith.subf %broadcast_in_dim3A_18, %broadcast_in_dim3A : vector<1x2048xf32>
    %exp3A = math.exp %sub3A : vector<1x2048xf32>
    %add3A = arith.constant 1.000000e+00 : f32
    %add3A_27 = vector.broadcast %add3A : f32 to vector<1x2048xf32>
    %add3A_28 = arith.addf %add3A_27, %exp3A : vector<1x2048xf32>
    %div3A = arith.constant 1.000000e+00 : f32
    %div3A_29 = vector.broadcast %div3A : f32 to vector<1x2048xf32>
    %div3A_30 = arith.divf %div3A_29, %add3A_28 : vector<1x2048xf32>
    %mul3A = arith.mulf %exp3A, %div3A_30 : vector<1x2048xf32>
    %concatenate3A = tpu.concatenate %div3A_30, %mul3A in 1 : vector<1x2048xf32>, vector<1x2048xf32> -> vector<1x4096xf32>
    %swap3A = arith.constant 0 : index
    %swap3A_31 = arith.constant 0 : index
    %swap3A_32 = vector.load %arg2[%swap3A, %swap3A_31] : memref<1x4096xf32, #tpu.memory_space<vmem>>, vector<1x4096xf32>
    tpu.vector_store %arg2[%swap3A, %swap3A_31], %concatenate3A {strides = array<i32>} : memref<1x4096xf32, #tpu.memory_space<vmem>>, vector<1x4096xf32>,
    %eq3A_33 = vector.broadcast %broadcast_in_dim3A_10 : vector<1x2048xi32> to vector<8x2048xi32>
    %eq3A_34 = arith.cmpi eq, %iota3A, %eq3A_33 : vector<8x2048xi32>
    %eq3A_35 = vector.broadcast %broadcast_in_dim3A_26 : vector<1x2048xi32> to vector<8x2048xi32>
    %eq3A_36 = arith.cmpi eq, %iota3A, %eq3A_35 : vector<8x2048xi32>
    %concatenate3A_37 = tpu.concatenate %eq3A_34, %eq3A_36 in 1 : vector<8x2048xi1>, vector<8x2048xi1> -> vector<8x4096xi1>
    %convert_element_type3A = arith.extui %concatenate3A_37 : vector<8x4096xi1> to vector<8x4096xi32>
    %convert_element_type3A_38 = arith.sitofp %convert_element_type3A : vector<8x4096xi32> to vector<8x4096xf32>
    %broadcast_in_dim3A_39 = arith.constant 0.000000e+00 : f32
    %broadcast_in_dim3A_40 = vector.broadcast %broadcast_in_dim3A_39 : f32 to vector<8x1xf32>
    %slice3A = vector.extract_strided_slice %convert_element_type3A_38 {offsets = [0, 0], sizes = [8, 4095], strides = [1, 1]} : vector<8x4096xf32> to vector<8x4095xf32>
    %concatenate3A_41 = tpu.concatenate %broadcast_in_dim3A_40, %slice3A in 1 : vector<8x1xf32>, vector<8x4095xf32> -> vector<8x4096xf32>
    %add3A_42 = arith.addf %convert_element_type3A_38, %concatenate3A_41 : vector<8x4096xf32>
    %broadcast_in_dim3A_43 = arith.constant 0.000000e+00 : f32
    %broadcast_in_dim3A_44 = vector.broadcast %broadcast_in_dim3A_43 : f32 to vector<8x2xf32>
    %slice3A_45 = vector.extract_strided_slice %add3A_42 {offsets = [0, 0], sizes = [8, 4094], strides = [1, 1]} : vector<8x4096xf32> to vector<8x4094xf32>
    %concatenate3A_46 = tpu.concatenate %broadcast_in_dim3A_44, %slice3A_45 in 1 : vector<8x2xf32>, vector<8x4094xf32> -> vector<8x4096xf32>
    %add3A_47 = arith.addf %add3A_42, %concatenate3A_46 : vector<8x4096xf32>
    %broadcast_in_dim3A_48 = arith.constant 0.000000e+00 : f32
    %broadcast_in_dim3A_49 = vector.broadcast %broadcast_in_dim3A_48 : f32 to vector<8x4xf32>
    %slice3A_50 = vector.extract_strided_slice %add3A_47 {offsets = [0, 0], sizes = [8, 4092], strides = [1, 1]} : vector<8x4096xf32> to vector<8x4092xf32>
    %concatenate3A_51 = tpu.concatenate %broadcast_in_dim3A_49, %slice3A_50 in 1 : vector<8x4xf32>, vector<8x4092xf32> -> vector<8x4096xf32>
    %add3A_52 = arith.addf %add3A_47, %concatenate3A_51 : vector<8x4096xf32>
    %broadcast_in_dim3A_53 = arith.constant 0.000000e+00 : f32
    %broadcast_in_dim3A_54 = vector.broadcast %broadcast_in_dim3A_53 : f32 to vector<8x8xf32>
    %slice3A_55 = vector.extract_strided_slice %add3A_52 {offsets = [0, 0], sizes = [8, 4088], strides = [1, 1]} : vector<8x4096xf32> to vector<8x4088xf32>
    %concatenate3A_56 = tpu.concatenate %broadcast_in_dim3A_54, %slice3A_55 in 1 : vector<8x8xf32>, vector<8x4088xf32> -> vector<8x4096xf32>
    %add3A_57 = arith.addf %add3A_52, %concatenate3A_56 : vector<8x4096xf32>
    %broadcast_in_dim3A_58 = arith.constant 0.000000e+00 : f32
    %broadcast_in_dim3A_59 = vector.broadcast %broadcast_in_dim3A_58 : f32 to vector<8x16xf32>
    %slice3A_60 = vector.extract_strided_slice %add3A_57 {offsets = [0, 0], sizes = [8, 4080], strides = [1, 1]} : vector<8x4096xf32> to vector<8x4080xf32>
    %concatenate3A_61 = tpu.concatenate %broadcast_in_dim3A_59, %slice3A_60 in 1 : vector<8x16xf32>, vector<8x4080xf32> -> vector<8x4096xf32>
    %add3A_62 = arith.addf %add3A_57, %concatenate3A_61 : vector<8x4096xf32>
    %broadcast_in_dim3A_63 = arith.constant 0.000000e+00 : f32
    %broadcast_in_dim3A_64 = vector.broadcast %broadcast_in_dim3A_63 : f32 to vector<8x32xf32>
    %slice3A_65 = vector.extract_strided_slice %add3A_62 {offsets = [0, 0], sizes = [8, 4064], strides = [1, 1]} : vector<8x4096xf32> to vector<8x4064xf32>
    %concatenate3A_66 = tpu.concatenate %broadcast_in_dim3A_64, %slice3A_65 in 1 : vector<8x32xf32>, vector<8x4064xf32> -> vector<8x4096xf32>
    %add3A_67 = arith.addf %add3A_62, %concatenate3A_66 : vector<8x4096xf32>
    %broadcast_in_dim3A_68 = arith.constant 0.000000e+00 : f32
    %broadcast_in_dim3A_69 = vector.broadcast %broadcast_in_dim3A_68 : f32 to vector<8x64xf32>
    %slice3A_70 = vector.extract_strided_slice %add3A_67 {offsets = [0, 0], sizes = [8, 4032], strides = [1, 1]} : vector<8x4096xf32> to vector<8x4032xf32>
    %concatenate3A_71 = tpu.concatenate %broadcast_in_dim3A_69, %slice3A_70 in 1 : vector<8x64xf32>, vector<8x4032xf32> -> vector<8x4096xf32>
    %add3A_72 = arith.addf %add3A_67, %concatenate3A_71 : vector<8x4096xf32>
    %broadcast_in_dim3A_73 = arith.constant 0.000000e+00 : f32
    %broadcast_in_dim3A_74 = vector.broadcast %broadcast_in_dim3A_73 : f32 to vector<8x128xf32>
    %slice3A_75 = vector.extract_strided_slice %add3A_72 {offsets = [0, 0], sizes = [8, 3968], strides = [1, 1]} : vector<8x4096xf32> to vector<8x3968xf32>
    %concatenate3A_76 = tpu.concatenate %broadcast_in_dim3A_74, %slice3A_75 in 1 : vector<8x128xf32>, vector<8x3968xf32> -> vector<8x4096xf32>
    %add3A_77 = arith.addf %add3A_72, %concatenate3A_76 : vector<8x4096xf32>
    %broadcast_in_dim3A_78 = arith.constant 0.000000e+00 : f32
    %broadcast_in_dim3A_79 = vector.broadcast %broadcast_in_dim3A_78 : f32 to vector<8x256xf32>
    %slice3A_80 = vector.extract_strided_slice %add3A_77 {offsets = [0, 0], sizes = [8, 3840], strides = [1, 1]} : vector<8x4096xf32> to vector<8x3840xf32>
    %concatenate3A_81 = tpu.concatenate %broadcast_in_dim3A_79, %slice3A_80 in 1 : vector<8x256xf32>, vector<8x3840xf32> -> vector<8x4096xf32>
    %add3A_82 = arith.addf %add3A_77, %concatenate3A_81 : vector<8x4096xf32>
    %broadcast_in_dim3A_83 = arith.constant 0.000000e+00 : f32
    %broadcast_in_dim3A_84 = vector.broadcast %broadcast_in_dim3A_83 : f32 to vector<8x512xf32>
    %slice3A_85 = vector.extract_strided_slice %add3A_82 {offsets = [0, 0], sizes = [8, 3584], strides = [1, 1]} : vector<8x4096xf32> to vector<8x3584xf32>
    %concatenate3A_86 = tpu.concatenate %broadcast_in_dim3A_84, %slice3A_85 in 1 : vector<8x512xf32>, vector<8x3584xf32> -> vector<8x4096xf32>
    %add3A_87 = arith.addf %add3A_82, %concatenate3A_86 : vector<8x4096xf32>
    %broadcast_in_dim3A_88 = arith.constant 0.000000e+00 : f32
    %broadcast_in_dim3A_89 = vector.broadcast %broadcast_in_dim3A_88 : f32 to vector<8x1024xf32>
    %slice3A_90 = vector.extract_strided_slice %add3A_87 {offsets = [0, 0], sizes = [8, 3072], strides = [1, 1]} : vector<8x4096xf32> to vector<8x3072xf32>
    %concatenate3A_91 = tpu.concatenate %broadcast_in_dim3A_89, %slice3A_90 in 1 : vector<8x1024xf32>, vector<8x3072xf32> -> vector<8x4096xf32>
    %add3A_92 = arith.addf %add3A_87, %concatenate3A_91 : vector<8x4096xf32>
    %broadcast_in_dim3A_93 = arith.constant 0.000000e+00 : f32
    %broadcast_in_dim3A_94 = vector.broadcast %broadcast_in_dim3A_93 : f32 to vector<8x2048xf32>
    %slice3A_95 = vector.extract_strided_slice %add3A_92 {offsets = [0, 0], sizes = [8, 2048], strides = [1, 1]} : vector<8x4096xf32> to vector<8x2048xf32>
    %concatenate3A_96 = tpu.concatenate %broadcast_in_dim3A_94, %slice3A_95 in 1 : vector<8x2048xf32>, vector<8x2048xf32> -> vector<8x4096xf32>
    %add3A_97 = arith.addf %add3A_92, %concatenate3A_96 : vector<8x4096xf32>
    %sub3A_98 = arith.subf %add3A_97, %convert_element_type3A_38 : vector<8x4096xf32>
    %mul3A_99 = arith.mulf %sub3A_98, %convert_element_type3A_38 : vector<8x4096xf32>
    %reduce_sum3A = arith.constant dense<0.000000e+00> : vector<4096xf32>
    %reduce_sum3A_100 = vector.multi_reduction <add>, %mul3A_99, %reduce_sum3A [0] : vector<8x4096xf32> to vector<4096xf32>
    %broadcast_in_dim3A_101 = vector.shape_cast %reduce_sum3A_100 : vector<4096xf32> to vector<1x4096xf32>
    %slice3A_102 = vector.extract_strided_slice %add3A_97 {offsets = [0, 4095], sizes = [8, 1], strides = [1, 1]} : vector<8x4096xf32> to vector<8x1xf32>
    %convert_element_type3A_103 = arith.fptosi %slice3A_102 : vector<8x1xf32> to vector<8x1xi32>
    %add3A_104 = arith.constant 255 : i32
    %add3A_105 = vector.broadcast %add3A_104 : i32 to vector<8x1xi32>
    %add3A_106 = arith.addi %convert_element_type3A_103, %add3A_105 : vector<8x1xi32>
    %jit3A_107 = arith.constant 256 : i32
    %div3A_108 = vector.broadcast %jit3A_107 : i32 to vector<8x1xi32>
    %div3A_109 = arith.divsi %add3A_106, %div3A_108 : vector<8x1xi32>
    %sign3A = arith.constant 0 : i32
    %sign3A_110 = vector.broadcast %sign3A : i32 to vector<8x1xi32>
    %sign3A_111 = arith.cmpi sgt, %add3A_106, %sign3A_110 : vector<8x1xi32>
    %sign3A_112 = arith.extui %sign3A_111 : vector<8x1xi1> to vector<8x1xi32>
    %sign3A_113 = arith.constant 0 : i32
    %sign3A_114 = vector.broadcast %sign3A_113 : i32 to vector<8x1xi32>
    %sign3A_115 = arith.cmpi slt, %add3A_106, %sign3A_114 : vector<8x1xi32>
    %sign3A_116 = arith.extui %sign3A_115 : vector<8x1xi1> to vector<8x1xi32>
    %sign3A_117 = arith.subi %sign3A_112, %sign3A_116 : vector<8x1xi32>
    %sign3A_118 = arith.constant 0 : i32
    %sign3A_119 = arith.cmpi sgt, %jit3A_107, %sign3A_118 : i32
    %sign3A_120 = arith.extui %sign3A_119 : i1 to i32
    %sign3A_121 = arith.constant 0 : i32
    %sign3A_122 = arith.cmpi slt, %jit3A_107, %sign3A_121 : i32
    %sign3A_123 = arith.extui %sign3A_122 : i1 to i32
    %sign3A_124 = arith.subi %sign3A_120, %sign3A_123 : i32
    %ne3A = vector.broadcast %sign3A_124 : i32 to vector<8x1xi32>
    %ne3A_125 = arith.cmpi ne, %sign3A_117, %ne3A : vector<8x1xi32>
    %rem3A = vector.broadcast %jit3A_107 : i32 to vector<8x1xi32>
    %rem3A_126 = arith.remsi %add3A_106, %rem3A : vector<8x1xi32>
    %ne3A_127 = arith.constant 0 : i32
    %ne3A_128 = vector.broadcast %ne3A_127 : i32 to vector<8x1xi32>
    %ne3A_129 = arith.cmpi ne, %rem3A_126, %ne3A_128 : vector<8x1xi32>
    %and3A = arith.andi %ne3A_125, %ne3A_129 : vector<8x1xi1>
    %sub3A_130 = arith.constant 1 : i32
    %sub3A_131 = vector.broadcast %sub3A_130 : i32 to vector<8x1xi32>
    %sub3A_132 = arith.subi %div3A_109, %sub3A_131 : vector<8x1xi32>
    %select_n3A_133 = arith.select %and3A, %sub3A_132, %div3A_109 : vector<8x1xi1>, vector<8x1xi32>
    %mul3A_134 = arith.constant 256 : i32
    %mul3A_135 = vector.broadcast %mul3A_134 : i32 to vector<8x1xi32>
    %mul3A_136 = arith.muli %select_n3A_133, %mul3A_135 : vector<8x1xi32>
    %broadcast_in_dim3A_137 = arith.constant 0 : i32
    %broadcast_in_dim3A_138 = vector.broadcast %broadcast_in_dim3A_137 : i32 to vector<1x1xi32>
    %slice3A_139 = vector.extract_strided_slice %mul3A_136 {offsets = [0, 0], sizes = [7, 1], strides = [1, 1]} : vector<8x1xi32> to vector<7x1xi32>
    %concatenate3A_140 = tpu.concatenate %broadcast_in_dim3A_138, %slice3A_139 in 0 : vector<1x1xi32>, vector<7x1xi32> -> vector<8x1xi32>
    %add3A_141 = arith.addi %mul3A_136, %concatenate3A_140 : vector<8x1xi32>
    %broadcast_in_dim3A_142 = arith.constant 0 : i32
    %broadcast_in_dim3A_143 = vector.broadcast %broadcast_in_dim3A_142 : i32 to vector<2x1xi32>
    %slice3A_144 = vector.extract_strided_slice %add3A_141 {offsets = [0, 0], sizes = [6, 1], strides = [1, 1]} : vector<8x1xi32> to vector<6x1xi32>
    %concatenate3A_145 = tpu.concatenate %broadcast_in_dim3A_143, %slice3A_144 in 0 : vector<2x1xi32>, vector<6x1xi32> -> vector<8x1xi32>
    %add3A_146 = arith.addi %add3A_141, %concatenate3A_145 : vector<8x1xi32>
    %broadcast_in_dim3A_147 = arith.constant 0 : i32
    %broadcast_in_dim3A_148 = vector.broadcast %broadcast_in_dim3A_147 : i32 to vector<4x1xi32>
    %slice3A_149 = vector.extract_strided_slice %add3A_146 {offsets = [0, 0], sizes = [4, 1], strides = [1, 1]} : vector<8x1xi32> to vector<4x1xi32>
    %concatenate3A_150 = tpu.concatenate %broadcast_in_dim3A_148, %slice3A_149 in 0 : vector<4x1xi32>, vector<4x1xi32> -> vector<8x1xi32>
    %add3A_151 = arith.addi %add3A_146, %concatenate3A_150 : vector<8x1xi32>
    %sub3A_152 = arith.subi %add3A_151, %mul3A_136 : vector<8x1xi32>
    %convert_element_type3A_153 = arith.sitofp %sub3A_152 : vector<8x1xi32> to vector<8x1xf32>
    %mul3A_154 = vector.broadcast %convert_element_type3A_153 : vector<8x1xf32> to vector<8x4096xf32>
    %mul3A_155 = arith.mulf %convert_element_type3A_38, %mul3A_154 : vector<8x4096xf32>
    %reduce_sum3A_156 = arith.constant dense<0.000000e+00> : vector<4096xf32>
    %reduce_sum3A_157 = vector.multi_reduction <add>, %mul3A_155, %reduce_sum3A_156 [0] : vector<8x4096xf32> to vector<4096xf32>
    %broadcast_in_dim3A_158 = vector.shape_cast %reduce_sum3A_157 : vector<4096xf32> to vector<1x4096xf32>
    %add3A_159 = arith.addf %broadcast_in_dim3A_101, %broadcast_in_dim3A_158 : vector<1x4096xf32>
    %convert_element_type3A_160 = arith.fptosi %add3A_159 : vector<1x4096xf32> to vector<1x4096xi32>
    %swap3A_161 = arith.constant 0 : index
    %swap3A_162 = arith.constant 0 : index
    %swap3A_163 = vector.load %arg3[%swap3A_161, %swap3A_162] : memref<1x4096xi32, #tpu.memory_space<vmem>>, vector<1x4096xi32>
    tpu.vector_store %arg3[%swap3A_161, %swap3A_162], %convert_element_type3A_160 {strides = array<i32>} : memref<1x4096xi32, #tpu.memory_space<vmem>>, vector<1x4096xi32>,
    %slice3A_164 = vector.extract_strided_slice %add3A_151 {offsets = [7, 0], sizes = [1, 1], strides = [1, 1]} : vector<8x1xi32> to vector<1x1xi32>
    %jit3A_165 = arith.constant 256 : i32
    %div3A_166 = vector.broadcast %jit3A_165 : i32 to vector<1x1xi32>
    %div3A_167 = arith.divsi %slice3A_164, %div3A_166 : vector<1x1xi32>
    %sign3A_168 = arith.constant 0 : i32
    %sign3A_169 = vector.broadcast %sign3A_168 : i32 to vector<1x1xi32>
    %sign3A_170 = arith.cmpi sgt, %slice3A_164, %sign3A_169 : vector<1x1xi32>
    %sign3A_171 = arith.extui %sign3A_170 : vector<1x1xi1> to vector<1x1xi32>
    %sign3A_172 = arith.constant 0 : i32
    %sign3A_173 = vector.broadcast %sign3A_172 : i32 to vector<1x1xi32>
    %sign3A_174 = arith.cmpi slt, %slice3A_164, %sign3A_173 : vector<1x1xi32>
    %sign3A_175 = arith.extui %sign3A_174 : vector<1x1xi1> to vector<1x1xi32>
    %sign3A_176 = arith.subi %sign3A_171, %sign3A_175 : vector<1x1xi32>
    %sign3A_177 = arith.constant 0 : i32
    %sign3A_178 = arith.cmpi sgt, %jit3A_165, %sign3A_177 : i32
    %sign3A_179 = arith.extui %sign3A_178 : i1 to i32
    %sign3A_180 = arith.constant 0 : i32
    %sign3A_181 = arith.cmpi slt, %jit3A_165, %sign3A_180 : i32
    %sign3A_182 = arith.extui %sign3A_181 : i1 to i32
    %sign3A_183 = arith.subi %sign3A_179, %sign3A_182 : i32
    %ne3A_184 = vector.broadcast %sign3A_183 : i32 to vector<1x1xi32>
    %ne3A_185 = arith.cmpi ne, %sign3A_176, %ne3A_184 : vector<1x1xi32>
    %rem3A_186 = vector.broadcast %jit3A_165 : i32 to vector<1x1xi32>
    %rem3A_187 = arith.remsi %slice3A_164, %rem3A_186 : vector<1x1xi32>
    %ne3A_188 = arith.constant 0 : i32
    %ne3A_189 = vector.broadcast %ne3A_188 : i32 to vector<1x1xi32>
    %ne3A_190 = arith.cmpi ne, %rem3A_187, %ne3A_189 : vector<1x1xi32>
    %and3A_191 = arith.andi %ne3A_185, %ne3A_190 : vector<1x1xi1>
    %sub3A_192 = arith.constant 1 : i32
    %sub3A_193 = vector.broadcast %sub3A_192 : i32 to vector<1x1xi32>
    %sub3A_194 = arith.subi %div3A_167, %sub3A_193 : vector<1x1xi32>
    %select_n3A_195 = arith.select %and3A_191, %sub3A_194, %div3A_167 : vector<1x1xi1>, vector<1x1xi32>
    %iota3A_196 = tpu.iota {dimensions = array<i32: 1>} : vector<1x23xi32>
    %broadcast_in_dim3A_197 = arith.constant 0 : i32
    %broadcast_in_dim3A_198 = vector.broadcast %broadcast_in_dim3A_197 : i32 to vector<1x23xi32>
    %jit3A_199 = arith.constant 256 : i32
    %div3A_200 = vector.broadcast %jit3A_199 : i32 to vector<8x1xi32>
    %div3A_201 = arith.divsi %sub3A_152, %div3A_200 : vector<8x1xi32>
    %sign3A_202 = arith.constant 0 : i32
    %sign3A_203 = vector.broadcast %sign3A_202 : i32 to vector<8x1xi32>
    %sign3A_204 = arith.cmpi sgt, %sub3A_152, %sign3A_203 : vector<8x1xi32>
    %sign3A_205 = arith.extui %sign3A_204 : vector<8x1xi1> to vector<8x1xi32>
    %sign3A_206 = arith.constant 0 : i32
    %sign3A_207 = vector.broadcast %sign3A_206 : i32 to vector<8x1xi32>
    %sign3A_208 = arith.cmpi slt, %sub3A_152, %sign3A_207 : vector<8x1xi32>
    %sign3A_209 = arith.extui %sign3A_208 : vector<8x1xi1> to vector<8x1xi32>
    %sign3A_210 = arith.subi %sign3A_205, %sign3A_209 : vector<8x1xi32>
    %sign3A_211 = arith.constant 0 : i32
    %sign3A_212 = arith.cmpi sgt, %jit3A_199, %sign3A_211 : i32
    %sign3A_213 = arith.extui %sign3A_212 : i1 to i32
    %sign3A_214 = arith.constant 0 : i32
    %sign3A_215 = arith.cmpi slt, %jit3A_199, %sign3A_214 : i32
    %sign3A_216 = arith.extui %sign3A_215 : i1 to i32
    %sign3A_217 = arith.subi %sign3A_213, %sign3A_216 : i32
    %ne3A_218 = vector.broadcast %sign3A_217 : i32 to vector<8x1xi32>
    %ne3A_219 = arith.cmpi ne, %sign3A_210, %ne3A_218 : vector<8x1xi32>
    %rem3A_220 = vector.broadcast %jit3A_199 : i32 to vector<8x1xi32>
    %rem3A_221 = arith.remsi %sub3A_152, %rem3A_220 : vector<8x1xi32>
    %ne3A_222 = arith.constant 0 : i32
    %ne3A_223 = vector.broadcast %ne3A_222 : i32 to vector<8x1xi32>
    %ne3A_224 = arith.cmpi ne, %rem3A_221, %ne3A_223 : vector<8x1xi32>
    %and3A_225 = arith.andi %ne3A_219, %ne3A_224 : vector<8x1xi1>
    %sub3A_226 = arith.constant 1 : i32
    %sub3A_227 = vector.broadcast %sub3A_226 : i32 to vector<8x1xi32>
    %sub3A_228 = arith.subi %div3A_201, %sub3A_227 : vector<8x1xi32>
    %select_n3A_229 = arith.select %and3A_225, %sub3A_228, %div3A_201 : vector<8x1xi1>, vector<8x1xi32>
    %slice3A_230 = vector.extract_strided_slice %select_n3A_229 {offsets = [1, 0], sizes = [1, 1], strides = [1, 1]} : vector<8x1xi32> to vector<1x1xi32>
    %ge3A = vector.broadcast %slice3A_230 : vector<1x1xi32> to vector<1x23xi32>
    %ge3A_231 = arith.cmpi sge, %iota3A_196, %ge3A : vector<1x23xi32>
    %convert_element_type3A_232 = arith.extui %ge3A_231 : vector<1x23xi1> to vector<1x23xi32>
    %add3A_233 = arith.addi %broadcast_in_dim3A_198, %convert_element_type3A_232 : vector<1x23xi32>
    %slice3A_234 = vector.extract_strided_slice %select_n3A_229 {offsets = [2, 0], sizes = [1, 1], strides = [1, 1]} : vector<8x1xi32> to vector<1x1xi32>
    %ge3A_235 = vector.broadcast %slice3A_234 : vector<1x1xi32> to vector<1x23xi32>
    %ge3A_236 = arith.cmpi sge, %iota3A_196, %ge3A_235 : vector<1x23xi32>
    %convert_element_type3A_237 = arith.extui %ge3A_236 : vector<1x23xi1> to vector<1x23xi32>
    %add3A_238 = arith.addi %add3A_233, %convert_element_type3A_237 : vector<1x23xi32>
    %slice3A_239 = vector.extract_strided_slice %select_n3A_229 {offsets = [3, 0], sizes = [1, 1], strides = [1, 1]} : vector<8x1xi32> to vector<1x1xi32>
    %ge3A_240 = vector.broadcast %slice3A_239 : vector<1x1xi32> to vector<1x23xi32>
    %ge3A_241 = arith.cmpi sge, %iota3A_196, %ge3A_240 : vector<1x23xi32>
    %convert_element_type3A_242 = arith.extui %ge3A_241 : vector<1x23xi1> to vector<1x23xi32>
    %add3A_243 = arith.addi %add3A_238, %convert_element_type3A_242 : vector<1x23xi32>
    %slice3A_244 = vector.extract_strided_slice %select_n3A_229 {offsets = [4, 0], sizes = [1, 1], strides = [1, 1]} : vector<8x1xi32> to vector<1x1xi32>
    %ge3A_245 = vector.broadcast %slice3A_244 : vector<1x1xi32> to vector<1x23xi32>
    %ge3A_246 = arith.cmpi sge, %iota3A_196, %ge3A_245 : vector<1x23xi32>
    %convert_element_type3A_247 = arith.extui %ge3A_246 : vector<1x23xi1> to vector<1x23xi32>
    %add3A_248 = arith.addi %add3A_243, %convert_element_type3A_247 : vector<1x23xi32>
    %slice3A_249 = vector.extract_strided_slice %select_n3A_229 {offsets = [5, 0], sizes = [1, 1], strides = [1, 1]} : vector<8x1xi32> to vector<1x1xi32>
    %ge3A_250 = vector.broadcast %slice3A_249 : vector<1x1xi32> to vector<1x23xi32>
    %ge3A_251 = arith.cmpi sge, %iota3A_196, %ge3A_250 : vector<1x23xi32>
    %convert_element_type3A_252 = arith.extui %ge3A_251 : vector<1x23xi1> to vector<1x23xi32>
    %add3A_253 = arith.addi %add3A_248, %convert_element_type3A_252 : vector<1x23xi32>
    %slice3A_254 = vector.extract_strided_slice %select_n3A_229 {offsets = [6, 0], sizes = [1, 1], strides = [1, 1]} : vector<8x1xi32> to vector<1x1xi32>
    %ge3A_255 = vector.broadcast %slice3A_254 : vector<1x1xi32> to vector<1x23xi32>
    %ge3A_256 = arith.cmpi sge, %iota3A_196, %ge3A_255 : vector<1x23xi32>
    %convert_element_type3A_257 = arith.extui %ge3A_256 : vector<1x23xi1> to vector<1x23xi32>
    %add3A_258 = arith.addi %add3A_253, %convert_element_type3A_257 : vector<1x23xi32>
    %slice3A_259 = vector.extract_strided_slice %select_n3A_229 {offsets = [7, 0], sizes = [1, 1], strides = [1, 1]} : vector<8x1xi32> to vector<1x1xi32>
    %ge3A_260 = vector.broadcast %slice3A_259 : vector<1x1xi32> to vector<1x23xi32>
    %ge3A_261 = arith.cmpi sge, %iota3A_196, %ge3A_260 : vector<1x23xi32>
    %convert_element_type3A_262 = arith.extui %ge3A_261 : vector<1x23xi1> to vector<1x23xi32>
    %add3A_263 = arith.addi %add3A_258, %convert_element_type3A_262 : vector<1x23xi32>
    %lt3A = vector.broadcast %select_n3A_195 : vector<1x1xi32> to vector<1x23xi32>
    %lt3A_264 = arith.cmpi slt, %iota3A_196, %lt3A : vector<1x23xi32>
    %jit3A_265 = arith.constant 8 : i32
    %broadcast_in_dim3A_266 = vector.broadcast %jit3A_265 : i32 to vector<1x23xi32>
    %select_n3A_267 = arith.select %lt3A_264, %add3A_263, %broadcast_in_dim3A_266 : vector<1x23xi1>, vector<1x23xi32>
    %swap3A_268 = arith.constant 0 : index
    %swap3A_269 = arith.constant 0 : index
    %swap3A_270 = vector.load %arg4[%swap3A_268, %swap3A_269] : memref<1x23xi32, #tpu.memory_space<vmem>>, vector<1x23xi32>
    tpu.vector_store %arg4[%swap3A_268, %swap3A_269], %select_n3A_267 {strides = array<i32>} : memref<1x23xi32, #tpu.memory_space<vmem>>, vector<1x23xi32>,
    %broadcast_in_dim3A_271 = arith.constant 1.000000e+00 : f32
    %broadcast_in_dim3A_272 = vector.broadcast %broadcast_in_dim3A_271 : f32 to vector<1x1xf32>
    %slice3A_273 = vector.extract_strided_slice %select_n3A_267 {offsets = [0, 1], sizes = [1, 22], strides = [1, 1]} : vector<1x23xi32> to vector<1x22xi32>
    %slice3A_274 = vector.extract_strided_slice %select_n3A_267 {offsets = [0, 0], sizes = [1, 22], strides = [1, 1]} : vector<1x23xi32> to vector<1x22xi32>
    %ne3A_275 = arith.cmpi ne, %slice3A_273, %slice3A_274 : vector<1x22xi32>
    %convert_element_type3A_276 = arith.extui %ne3A_275 : vector<1x22xi1> to vector<1x22xi32>
    %convert_element_type3A_277 = arith.sitofp %convert_element_type3A_276 : vector<1x22xi32> to vector<1x22xf32>
    %concatenate3A_278 = tpu.concatenate %broadcast_in_dim3A_272, %convert_element_type3A_277 in 1 : vector<1x1xf32>, vector<1x22xf32> -> vector<1x23xf32>
    %broadcast_in_dim3A_279 = arith.constant 0.000000e+00 : f32
    %broadcast_in_dim3A_280 = vector.broadcast %broadcast_in_dim3A_279 : f32 to vector<1x1xf32>
    %slice3A_281 = vector.extract_strided_slice %concatenate3A_278 {offsets = [0, 0], sizes = [1, 22], strides = [1, 1]} : vector<1x23xf32> to vector<1x22xf32>
    %concatenate3A_282 = tpu.concatenate %broadcast_in_dim3A_280, %slice3A_281 in 1 : vector<1x1xf32>, vector<1x22xf32> -> vector<1x23xf32>
    %add3A_283 = arith.addf %concatenate3A_278, %concatenate3A_282 : vector<1x23xf32>
    %broadcast_in_dim3A_284 = arith.constant 0.000000e+00 : f32
    %broadcast_in_dim3A_285 = vector.broadcast %broadcast_in_dim3A_284 : f32 to vector<1x2xf32>
    %slice3A_286 = vector.extract_strided_slice %add3A_283 {offsets = [0, 0], sizes = [1, 21], strides = [1, 1]} : vector<1x23xf32> to vector<1x21xf32>
    %concatenate3A_287 = tpu.concatenate %broadcast_in_dim3A_285, %slice3A_286 in 1 : vector<1x2xf32>, vector<1x21xf32> -> vector<1x23xf32>
    %add3A_288 = arith.addf %add3A_283, %concatenate3A_287 : vector<1x23xf32>
    %broadcast_in_dim3A_289 = arith.constant 0.000000e+00 : f32
    %broadcast_in_dim3A_290 = vector.broadcast %broadcast_in_dim3A_289 : f32 to vector<1x4xf32>
    %slice3A_291 = vector.extract_strided_slice %add3A_288 {offsets = [0, 0], sizes = [1, 19], strides = [1, 1]} : vector<1x23xf32> to vector<1x19xf32>
    %concatenate3A_292 = tpu.concatenate %broadcast_in_dim3A_290, %slice3A_291 in 1 : vector<1x4xf32>, vector<1x19xf32> -> vector<1x23xf32>
    %add3A_293 = arith.addf %add3A_288, %concatenate3A_292 : vector<1x23xf32>
    %broadcast_in_dim3A_294 = arith.constant 0.000000e+00 : f32
    %broadcast_in_dim3A_295 = vector.broadcast %broadcast_in_dim3A_294 : f32 to vector<1x8xf32>
    %slice3A_296 = vector.extract_strided_slice %add3A_293 {offsets = [0, 0], sizes = [1, 15], strides = [1, 1]} : vector<1x23xf32> to vector<1x15xf32>
    %concatenate3A_297 = tpu.concatenate %broadcast_in_dim3A_295, %slice3A_296 in 1 : vector<1x8xf32>, vector<1x15xf32> -> vector<1x23xf32>
    %add3A_298 = arith.addf %add3A_293, %concatenate3A_297 : vector<1x23xf32>
    %broadcast_in_dim3A_299 = arith.constant 0.000000e+00 : f32
    %broadcast_in_dim3A_300 = vector.broadcast %broadcast_in_dim3A_299 : f32 to vector<1x16xf32>
    %slice3A_301 = vector.extract_strided_slice %add3A_298 {offsets = [0, 0], sizes = [1, 7], strides = [1, 1]} : vector<1x23xf32> to vector<1x7xf32>
    %concatenate3A_302 = tpu.concatenate %broadcast_in_dim3A_300, %slice3A_301 in 1 : vector<1x16xf32>, vector<1x7xf32> -> vector<1x23xf32>
    %add3A_303 = arith.addf %add3A_298, %concatenate3A_302 : vector<1x23xf32>
    %convert_element_type3A_304 = arith.fptosi %add3A_303 : vector<1x23xf32> to vector<1x23xi32>
    %sub3A_305 = arith.constant 1 : i32
    %sub3A_306 = vector.broadcast %sub3A_305 : i32 to vector<1x23xi32>
    %sub3A_307 = arith.subi %convert_element_type3A_304, %sub3A_306 : vector<1x23xi32>
    %and3A_308 = arith.constant 1 : i32
    %and3A_309 = vector.broadcast %and3A_308 : i32 to vector<1x23xi32>
    %and3A_310 = arith.andi %sub3A_307, %and3A_309 : vector<1x23xi32>
    %swap3A_311 = arith.constant 0 : index
    %swap3A_312 = arith.constant 0 : index
    %swap3A_313 = vector.load %arg5[%swap3A_311, %swap3A_312] : memref<1x23xi32, #tpu.memory_space<vmem>>, vector<1x23xi32>
    tpu.vector_store %arg5[%swap3A_311, %swap3A_312], %and3A_310 {strides = array<i32>} : memref<1x23xi32, #tpu.memory_space<vmem>>, vector<1x23xi32>,
    %iota3A_314 = tpu.iota {dimensions = array<i32: 0>} : vector<8x23xi32>
    %gt3A = arith.constant 0 : i32
    %gt3A_315 = vector.broadcast %gt3A : i32 to vector<8x1xi32>
    %gt3A_316 = arith.cmpi sgt, %mul3A_136, %gt3A_315 : vector<8x1xi32>
    %gt3A_317 = vector.broadcast %select_n3A_267 : vector<1x23xi32> to vector<8x23xi32>
    %gt3A_318 = arith.cmpi sgt, %iota3A_314, %gt3A_317 : vector<8x23xi32>
    %and3A_319 = vector.broadcast %gt3A_316 : vector<8x1xi1> to vector<8x23xi1>
    %and3A_320 = arith.andi %gt3A_318, %and3A_319 : vector<8x23xi1>
    %jit3A_321 = arith.constant 8 : i32
    %broadcast_in_dim3A_322 = vector.broadcast %jit3A_321 : i32 to vector<8x23xi32>
    %select_n3A_323 = arith.select %and3A_320, %iota3A_314, %broadcast_in_dim3A_322 : vector<8x23xi1>, vector<8x23xi32>
    %reduce_min3A_324 = arith.constant dense<2147483647> : vector<23xi32>
    %reduce_min3A_325 = vector.multi_reduction <minsi>, %select_n3A_323, %reduce_min3A_324 [0] : vector<8x23xi32> to vector<23xi32>
    %broadcast_in_dim3A_326 = vector.shape_cast %reduce_min3A_325 : vector<23xi32> to vector<1x23xi32>
    %swap3A_327 = arith.constant 0 : index
    %swap3A_328 = arith.constant 0 : index
    %swap3A_329 = vector.load %arg6[%swap3A_327, %swap3A_328] : memref<1x23xi32, #tpu.memory_space<vmem>>, vector<1x23xi32>
    tpu.vector_store %arg6[%swap3A_327, %swap3A_328], %broadcast_in_dim3A_326 {strides = array<i32>} : memref<1x23xi32, #tpu.memory_space<vmem>>, vector<1x23xi32>,
    return
  }
}

module attributes {stable_mosaic.version = 14 : i64} {
  func.func @_ffn_body(%arg0: i32, %arg1: memref<23xi32, #tpu.memory_space<smem>>, %arg2: memref<23xi32, #tpu.memory_space<smem>>, %arg3: memref<23xi32, #tpu.memory_space<smem>>, %arg4: memref<256x1024xf32, #tpu.memory_space<vmem>>, %arg5: memref<8x512x1024xf32, #tpu.memory_space<any>>, %arg6: memref<8x512x1024xf32, #tpu.memory_space<any>>, %arg7: memref<8x1024x512xf32, #tpu.memory_space<any>>, %arg8: memref<256x512xi32, #tpu.memory_space<vmem>>, %arg9: memref<2x512x1024xf32, #tpu.memory_space<vmem>>, %arg10: memref<2x512x1024xf32, #tpu.memory_space<vmem>>, %arg11: memref<2x1024x512xf32, #tpu.memory_space<vmem>>, %arg12: memref<2x3x!tpu.dma_semaphore, #tpu.memory_space<semaphore_mem>>) attributes {dimension_semantics = [#tpu.dimension_semantics<arbitrary>], iteration_bounds = array<i64: 23>, scalar_prefetch = 3 : i64, scratch_operands = 4 : i64, tpu.core_type = #tpu.core_type<tc>, window_params = [{transform_indices = @transform_0, window_bounds = array<i64: 256, 1024>}, {}, {}, {}, {transform_indices = @transform_4, window_bounds = array<i64: 256, 512>}]} {
    %get3A = arith.index_cast %arg0 : i32 to index
    %get3A_0 = memref.load %arg1[%get3A] : memref<23xi32, #tpu.memory_space<smem>>
    %get3A_1 = arith.index_cast %arg0 : i32 to index
    %get3A_2 = memref.load %arg2[%get3A_1] : memref<23xi32, #tpu.memory_space<smem>>
    %get3A_3 = arith.index_cast %arg0 : i32 to index
    %get3A_4 = memref.load %arg3[%get3A_3] : memref<23xi32, #tpu.memory_space<smem>>
    %max3A = arith.constant 1 : i32
    %max3A_5 = arith.maxsi %arg0, %max3A : i32
    %sub3A = arith.constant 1 : i32
    %sub3A_6 = arith.subi %max3A_5, %sub3A : i32
    %get3A_7 = arith.index_cast %sub3A_6 : i32 to index
    %get3A_8 = memref.load %arg1[%get3A_7] : memref<23xi32, #tpu.memory_space<smem>>
    %eq3A = arith.constant 0 : i32
    %eq3A_9 = arith.cmpi eq, %arg0, %eq3A : i32
    %ne3A = arith.cmpi ne, %get3A_0, %get3A_8 : i32
    %or3A = arith.ori %eq3A_9, %ne3A : i1
    %lt3A = arith.constant 8 : i32
    %lt3A_10 = arith.cmpi slt, %get3A_0, %lt3A : i32
    %and3A = arith.andi %or3A, %lt3A_10 : i1
    %convert_element_type3A = arith.extui %and3A : i1 to i32
    %cond3A = arith.constant 0 : i32
    %cond3A_11 = arith.cmpi ne, %convert_element_type3A, %cond3A : i32
    scf.if %cond3A_11 {
      %eq3A_17 = arith.constant 0 : i32
      %eq3A_18 = arith.cmpi eq, %arg0, %eq3A_17 : i32
      %convert_element_type3A_19 = arith.extui %eq3A_18 : i1 to i32
      %cond3A_20 = arith.constant 0 : i32
      %cond3A_21 = arith.cmpi ne, %convert_element_type3A_19, %cond3A_20 : i32
      scf.if %cond3A_21 {
        %dma_start3A = arith.constant 0 : i32
        %dma_start3A_59 = tpu.memref_slice %arg12[%get3A_2, %dma_start3A] : memref<2x3x!tpu.dma_semaphore, #tpu.memory_space<semaphore_mem>> -> memref<1x1x!tpu.dma_semaphore, #tpu.memory_space<semaphore_mem>>
        %dma_start3A_60 = tpu.memref_squeeze %dma_start3A_59 : memref<1x1x!tpu.dma_semaphore, #tpu.memory_space<semaphore_mem>> -> memref<!tpu.dma_semaphore, #tpu.memory_space<semaphore_mem>>
        %dma_start3A_61 = arith.constant 0 : i32
        %dma_start3A_62 = arith.constant 0 : i32
        %dma_start3A_63 = tpu.memref_slice %arg9[%get3A_2, %dma_start3A_61, %dma_start3A_62] : memref<2x512x1024xf32, #tpu.memory_space<vmem>> -> memref<1x512x1024xf32, #tpu.memory_space<vmem>>
        %dma_start3A_64 = tpu.memref_squeeze %dma_start3A_63 : memref<1x512x1024xf32, #tpu.memory_space<vmem>> -> memref<512x1024xf32, #tpu.memory_space<vmem>>
        %dma_start3A_65 = arith.constant 0 : i32
        %dma_start3A_66 = arith.constant 0 : i32
        %dma_start3A_67 = tpu.memref_slice %arg5[%get3A_0, %dma_start3A_65, %dma_start3A_66] : memref<8x512x1024xf32, #tpu.memory_space<any>> -> memref<1x512x1024xf32, #tpu.memory_space<any>>
        %dma_start3A_68 = tpu.memref_squeeze %dma_start3A_67 : memref<1x512x1024xf32, #tpu.memory_space<any>> -> memref<512x1024xf32, #tpu.memory_space<any>>
        tpu.enqueue_dma source(%dma_start3A_68 : memref<512x1024xf32, #tpu.memory_space<any>>) target(%dma_start3A_64 : memref<512x1024xf32, #tpu.memory_space<vmem>>) target_semaphore(%dma_start3A_60 : memref<!tpu.dma_semaphore, #tpu.memory_space<semaphore_mem>>)
        %dma_start3A_69 = arith.constant 1 : i32
        %dma_start3A_70 = tpu.memref_slice %arg12[%get3A_2, %dma_start3A_69] : memref<2x3x!tpu.dma_semaphore, #tpu.memory_space<semaphore_mem>> -> memref<1x1x!tpu.dma_semaphore, #tpu.memory_space<semaphore_mem>>
        %dma_start3A_71 = tpu.memref_squeeze %dma_start3A_70 : memref<1x1x!tpu.dma_semaphore, #tpu.memory_space<semaphore_mem>> -> memref<!tpu.dma_semaphore, #tpu.memory_space<semaphore_mem>>
        %dma_start3A_72 = arith.constant 0 : i32
        %dma_start3A_73 = arith.constant 0 : i32
        %dma_start3A_74 = tpu.memref_slice %arg10[%get3A_2, %dma_start3A_72, %dma_start3A_73] : memref<2x512x1024xf32, #tpu.memory_space<vmem>> -> memref<1x512x1024xf32, #tpu.memory_space<vmem>>
        %dma_start3A_75 = tpu.memref_squeeze %dma_start3A_74 : memref<1x512x1024xf32, #tpu.memory_space<vmem>> -> memref<512x1024xf32, #tpu.memory_space<vmem>>
        %dma_start3A_76 = arith.constant 0 : i32
        %dma_start3A_77 = arith.constant 0 : i32
        %dma_start3A_78 = tpu.memref_slice %arg6[%get3A_0, %dma_start3A_76, %dma_start3A_77] : memref<8x512x1024xf32, #tpu.memory_space<any>> -> memref<1x512x1024xf32, #tpu.memory_space<any>>
        %dma_start3A_79 = tpu.memref_squeeze %dma_start3A_78 : memref<1x512x1024xf32, #tpu.memory_space<any>> -> memref<512x1024xf32, #tpu.memory_space<any>>
        tpu.enqueue_dma source(%dma_start3A_79 : memref<512x1024xf32, #tpu.memory_space<any>>) target(%dma_start3A_75 : memref<512x1024xf32, #tpu.memory_space<vmem>>) target_semaphore(%dma_start3A_71 : memref<!tpu.dma_semaphore, #tpu.memory_space<semaphore_mem>>)
        %dma_start3A_80 = arith.constant 2 : i32
        %dma_start3A_81 = tpu.memref_slice %arg12[%get3A_2, %dma_start3A_80] : memref<2x3x!tpu.dma_semaphore, #tpu.memory_space<semaphore_mem>> -> memref<1x1x!tpu.dma_semaphore, #tpu.memory_space<semaphore_mem>>
        %dma_start3A_82 = tpu.memref_squeeze %dma_start3A_81 : memref<1x1x!tpu.dma_semaphore, #tpu.memory_space<semaphore_mem>> -> memref<!tpu.dma_semaphore, #tpu.memory_space<semaphore_mem>>
        %dma_start3A_83 = arith.constant 0 : i32
        %dma_start3A_84 = arith.constant 0 : i32
        %dma_start3A_85 = tpu.memref_slice %arg11[%get3A_2, %dma_start3A_83, %dma_start3A_84] : memref<2x1024x512xf32, #tpu.memory_space<vmem>> -> memref<1x1024x512xf32, #tpu.memory_space<vmem>>
        %dma_start3A_86 = tpu.memref_squeeze %dma_start3A_85 : memref<1x1024x512xf32, #tpu.memory_space<vmem>> -> memref<1024x512xf32, #tpu.memory_space<vmem>>
        %dma_start3A_87 = arith.constant 0 : i32
        %dma_start3A_88 = arith.constant 0 : i32
        %dma_start3A_89 = tpu.memref_slice %arg7[%get3A_0, %dma_start3A_87, %dma_start3A_88] : memref<8x1024x512xf32, #tpu.memory_space<any>> -> memref<1x1024x512xf32, #tpu.memory_space<any>>
        %dma_start3A_90 = tpu.memref_squeeze %dma_start3A_89 : memref<1x1024x512xf32, #tpu.memory_space<any>> -> memref<1024x512xf32, #tpu.memory_space<any>>
        tpu.enqueue_dma source(%dma_start3A_90 : memref<1024x512xf32, #tpu.memory_space<any>>) target(%dma_start3A_86 : memref<1024x512xf32, #tpu.memory_space<vmem>>) target_semaphore(%dma_start3A_82 : memref<!tpu.dma_semaphore, #tpu.memory_space<semaphore_mem>>)
      } else {
      }
      %dma_wait3A = arith.constant 0 : i32
      %dma_wait3A_22 = tpu.memref_slice %arg12[%get3A_2, %dma_wait3A] : memref<2x3x!tpu.dma_semaphore, #tpu.memory_space<semaphore_mem>> -> memref<1x1x!tpu.dma_semaphore, #tpu.memory_space<semaphore_mem>>
      %dma_wait3A_23 = tpu.memref_squeeze %dma_wait3A_22 : memref<1x1x!tpu.dma_semaphore, #tpu.memory_space<semaphore_mem>> -> memref<!tpu.dma_semaphore, #tpu.memory_space<semaphore_mem>>
      %dma_wait3A_24 = arith.constant 0 : i32
      %dma_wait3A_25 = arith.constant 0 : i32
      %dma_wait3A_26 = tpu.memref_slice %arg9[%get3A_2, %dma_wait3A_24, %dma_wait3A_25] : memref<2x512x1024xf32, #tpu.memory_space<vmem>> -> memref<1x512x1024xf32, #tpu.memory_space<vmem>>
      %dma_wait3A_27 = tpu.memref_squeeze %dma_wait3A_26 : memref<1x512x1024xf32, #tpu.memory_space<vmem>> -> memref<512x1024xf32, #tpu.memory_space<vmem>>
      %dma_wait3A_28 = arith.constant 0 : i32
      %dma_wait3A_29 = arith.constant 0 : i32
      %dma_wait3A_30 = tpu.memref_slice %arg5[%get3A_0, %dma_wait3A_28, %dma_wait3A_29] : memref<8x512x1024xf32, #tpu.memory_space<any>> -> memref<1x512x1024xf32, #tpu.memory_space<any>>
      %dma_wait3A_31 = tpu.memref_squeeze %dma_wait3A_30 : memref<1x512x1024xf32, #tpu.memory_space<any>> -> memref<512x1024xf32, #tpu.memory_space<any>>
      tpu.wait_dma2 semaphore(%dma_wait3A_23 : memref<!tpu.dma_semaphore, #tpu.memory_space<semaphore_mem>>) src(%dma_wait3A_31 : memref<512x1024xf32, #tpu.memory_space<any>>) dst(%dma_wait3A_27 : memref<512x1024xf32, #tpu.memory_space<vmem>>)
      %dma_wait3A_32 = arith.constant 1 : i32
      %dma_wait3A_33 = tpu.memref_slice %arg12[%get3A_2, %dma_wait3A_32] : memref<2x3x!tpu.dma_semaphore, #tpu.memory_space<semaphore_mem>> -> memref<1x1x!tpu.dma_semaphore, #tpu.memory_space<semaphore_mem>>
      %dma_wait3A_34 = tpu.memref_squeeze %dma_wait3A_33 : memref<1x1x!tpu.dma_semaphore, #tpu.memory_space<semaphore_mem>> -> memref<!tpu.dma_semaphore, #tpu.memory_space<semaphore_mem>>
      %dma_wait3A_35 = arith.constant 0 : i32
      %dma_wait3A_36 = arith.constant 0 : i32
      %dma_wait3A_37 = tpu.memref_slice %arg10[%get3A_2, %dma_wait3A_35, %dma_wait3A_36] : memref<2x512x1024xf32, #tpu.memory_space<vmem>> -> memref<1x512x1024xf32, #tpu.memory_space<vmem>>
      %dma_wait3A_38 = tpu.memref_squeeze %dma_wait3A_37 : memref<1x512x1024xf32, #tpu.memory_space<vmem>> -> memref<512x1024xf32, #tpu.memory_space<vmem>>
      %dma_wait3A_39 = arith.constant 0 : i32
      %dma_wait3A_40 = arith.constant 0 : i32
      %dma_wait3A_41 = tpu.memref_slice %arg6[%get3A_0, %dma_wait3A_39, %dma_wait3A_40] : memref<8x512x1024xf32, #tpu.memory_space<any>> -> memref<1x512x1024xf32, #tpu.memory_space<any>>
      %dma_wait3A_42 = tpu.memref_squeeze %dma_wait3A_41 : memref<1x512x1024xf32, #tpu.memory_space<any>> -> memref<512x1024xf32, #tpu.memory_space<any>>
      tpu.wait_dma2 semaphore(%dma_wait3A_34 : memref<!tpu.dma_semaphore, #tpu.memory_space<semaphore_mem>>) src(%dma_wait3A_42 : memref<512x1024xf32, #tpu.memory_space<any>>) dst(%dma_wait3A_38 : memref<512x1024xf32, #tpu.memory_space<vmem>>)
      %dma_wait3A_43 = arith.constant 2 : i32
      %dma_wait3A_44 = tpu.memref_slice %arg12[%get3A_2, %dma_wait3A_43] : memref<2x3x!tpu.dma_semaphore, #tpu.memory_space<semaphore_mem>> -> memref<1x1x!tpu.dma_semaphore, #tpu.memory_space<semaphore_mem>>
      %dma_wait3A_45 = tpu.memref_squeeze %dma_wait3A_44 : memref<1x1x!tpu.dma_semaphore, #tpu.memory_space<semaphore_mem>> -> memref<!tpu.dma_semaphore, #tpu.memory_space<semaphore_mem>>
      %dma_wait3A_46 = arith.constant 0 : i32
      %dma_wait3A_47 = arith.constant 0 : i32
      %dma_wait3A_48 = tpu.memref_slice %arg11[%get3A_2, %dma_wait3A_46, %dma_wait3A_47] : memref<2x1024x512xf32, #tpu.memory_space<vmem>> -> memref<1x1024x512xf32, #tpu.memory_space<vmem>>
      %dma_wait3A_49 = tpu.memref_squeeze %dma_wait3A_48 : memref<1x1024x512xf32, #tpu.memory_space<vmem>> -> memref<1024x512xf32, #tpu.memory_space<vmem>>
      %dma_wait3A_50 = arith.constant 0 : i32
      %dma_wait3A_51 = arith.constant 0 : i32
      %dma_wait3A_52 = tpu.memref_slice %arg7[%get3A_0, %dma_wait3A_50, %dma_wait3A_51] : memref<8x1024x512xf32, #tpu.memory_space<any>> -> memref<1x1024x512xf32, #tpu.memory_space<any>>
      %dma_wait3A_53 = tpu.memref_squeeze %dma_wait3A_52 : memref<1x1024x512xf32, #tpu.memory_space<any>> -> memref<1024x512xf32, #tpu.memory_space<any>>
      tpu.wait_dma2 semaphore(%dma_wait3A_45 : memref<!tpu.dma_semaphore, #tpu.memory_space<semaphore_mem>>) src(%dma_wait3A_53 : memref<1024x512xf32, #tpu.memory_space<any>>) dst(%dma_wait3A_49 : memref<1024x512xf32, #tpu.memory_space<vmem>>)
      %lt3A_54 = arith.constant 8 : i32
      %lt3A_55 = arith.cmpi slt, %get3A_4, %lt3A_54 : i32
      %convert_element_type3A_56 = arith.extui %lt3A_55 : i1 to i32
      %cond3A_57 = arith.constant 0 : i32
      %cond3A_58 = arith.cmpi ne, %convert_element_type3A_56, %cond3A_57 : i32
      scf.if %cond3A_58 {
        %min3A = arith.constant 7 : i32
        %min3A_59 = arith.minsi %get3A_4, %min3A : i32
        %sub3A_60 = arith.constant 1 : i32
        %sub3A_61 = arith.subi %sub3A_60, %get3A_2 : i32
        %dma_start3A = arith.constant 0 : i32
        %dma_start3A_62 = tpu.memref_slice %arg12[%sub3A_61, %dma_start3A] : memref<2x3x!tpu.dma_semaphore, #tpu.memory_space<semaphore_mem>> -> memref<1x1x!tpu.dma_semaphore, #tpu.memory_space<semaphore_mem>>
        %dma_start3A_63 = tpu.memref_squeeze %dma_start3A_62 : memref<1x1x!tpu.dma_semaphore, #tpu.memory_space<semaphore_mem>> -> memref<!tpu.dma_semaphore, #tpu.memory_space<semaphore_mem>>
        %dma_start3A_64 = arith.constant 0 : i32
        %dma_start3A_65 = arith.constant 0 : i32
        %dma_start3A_66 = tpu.memref_slice %arg9[%sub3A_61, %dma_start3A_64, %dma_start3A_65] : memref<2x512x1024xf32, #tpu.memory_space<vmem>> -> memref<1x512x1024xf32, #tpu.memory_space<vmem>>
        %dma_start3A_67 = tpu.memref_squeeze %dma_start3A_66 : memref<1x512x1024xf32, #tpu.memory_space<vmem>> -> memref<512x1024xf32, #tpu.memory_space<vmem>>
        %dma_start3A_68 = arith.constant 0 : i32
        %dma_start3A_69 = arith.constant 0 : i32
        %dma_start3A_70 = tpu.memref_slice %arg5[%min3A_59, %dma_start3A_68, %dma_start3A_69] : memref<8x512x1024xf32, #tpu.memory_space<any>> -> memref<1x512x1024xf32, #tpu.memory_space<any>>
        %dma_start3A_71 = tpu.memref_squeeze %dma_start3A_70 : memref<1x512x1024xf32, #tpu.memory_space<any>> -> memref<512x1024xf32, #tpu.memory_space<any>>
        tpu.enqueue_dma source(%dma_start3A_71 : memref<512x1024xf32, #tpu.memory_space<any>>) target(%dma_start3A_67 : memref<512x1024xf32, #tpu.memory_space<vmem>>) target_semaphore(%dma_start3A_63 : memref<!tpu.dma_semaphore, #tpu.memory_space<semaphore_mem>>)
        %dma_start3A_72 = arith.constant 1 : i32
        %dma_start3A_73 = tpu.memref_slice %arg12[%sub3A_61, %dma_start3A_72] : memref<2x3x!tpu.dma_semaphore, #tpu.memory_space<semaphore_mem>> -> memref<1x1x!tpu.dma_semaphore, #tpu.memory_space<semaphore_mem>>
        %dma_start3A_74 = tpu.memref_squeeze %dma_start3A_73 : memref<1x1x!tpu.dma_semaphore, #tpu.memory_space<semaphore_mem>> -> memref<!tpu.dma_semaphore, #tpu.memory_space<semaphore_mem>>
        %dma_start3A_75 = arith.constant 0 : i32
        %dma_start3A_76 = arith.constant 0 : i32
        %dma_start3A_77 = tpu.memref_slice %arg10[%sub3A_61, %dma_start3A_75, %dma_start3A_76] : memref<2x512x1024xf32, #tpu.memory_space<vmem>> -> memref<1x512x1024xf32, #tpu.memory_space<vmem>>
        %dma_start3A_78 = tpu.memref_squeeze %dma_start3A_77 : memref<1x512x1024xf32, #tpu.memory_space<vmem>> -> memref<512x1024xf32, #tpu.memory_space<vmem>>
        %dma_start3A_79 = arith.constant 0 : i32
        %dma_start3A_80 = arith.constant 0 : i32
        %dma_start3A_81 = tpu.memref_slice %arg6[%min3A_59, %dma_start3A_79, %dma_start3A_80] : memref<8x512x1024xf32, #tpu.memory_space<any>> -> memref<1x512x1024xf32, #tpu.memory_space<any>>
        %dma_start3A_82 = tpu.memref_squeeze %dma_start3A_81 : memref<1x512x1024xf32, #tpu.memory_space<any>> -> memref<512x1024xf32, #tpu.memory_space<any>>
        tpu.enqueue_dma source(%dma_start3A_82 : memref<512x1024xf32, #tpu.memory_space<any>>) target(%dma_start3A_78 : memref<512x1024xf32, #tpu.memory_space<vmem>>) target_semaphore(%dma_start3A_74 : memref<!tpu.dma_semaphore, #tpu.memory_space<semaphore_mem>>)
        %dma_start3A_83 = arith.constant 2 : i32
        %dma_start3A_84 = tpu.memref_slice %arg12[%sub3A_61, %dma_start3A_83] : memref<2x3x!tpu.dma_semaphore, #tpu.memory_space<semaphore_mem>> -> memref<1x1x!tpu.dma_semaphore, #tpu.memory_space<semaphore_mem>>
        %dma_start3A_85 = tpu.memref_squeeze %dma_start3A_84 : memref<1x1x!tpu.dma_semaphore, #tpu.memory_space<semaphore_mem>> -> memref<!tpu.dma_semaphore, #tpu.memory_space<semaphore_mem>>
        %dma_start3A_86 = arith.constant 0 : i32
        %dma_start3A_87 = arith.constant 0 : i32
        %dma_start3A_88 = tpu.memref_slice %arg11[%sub3A_61, %dma_start3A_86, %dma_start3A_87] : memref<2x1024x512xf32, #tpu.memory_space<vmem>> -> memref<1x1024x512xf32, #tpu.memory_space<vmem>>
        %dma_start3A_89 = tpu.memref_squeeze %dma_start3A_88 : memref<1x1024x512xf32, #tpu.memory_space<vmem>> -> memref<1024x512xf32, #tpu.memory_space<vmem>>
        %dma_start3A_90 = arith.constant 0 : i32
        %dma_start3A_91 = arith.constant 0 : i32
        %dma_start3A_92 = tpu.memref_slice %arg7[%min3A_59, %dma_start3A_90, %dma_start3A_91] : memref<8x1024x512xf32, #tpu.memory_space<any>> -> memref<1x1024x512xf32, #tpu.memory_space<any>>
        %dma_start3A_93 = tpu.memref_squeeze %dma_start3A_92 : memref<1x1024x512xf32, #tpu.memory_space<any>> -> memref<1024x512xf32, #tpu.memory_space<any>>
        tpu.enqueue_dma source(%dma_start3A_93 : memref<1024x512xf32, #tpu.memory_space<any>>) target(%dma_start3A_89 : memref<1024x512xf32, #tpu.memory_space<vmem>>) target_semaphore(%dma_start3A_85 : memref<!tpu.dma_semaphore, #tpu.memory_space<semaphore_mem>>)
      } else {
      }
    } else {
    }
    %lt3A_12 = arith.constant 8 : i32
    %lt3A_13 = arith.cmpi slt, %get3A_0, %lt3A_12 : i32
    %convert_element_type3A_14 = arith.extui %lt3A_13 : i1 to i32
    %cond3A_15 = arith.constant 0 : i32
    %cond3A_16 = arith.cmpi ne, %convert_element_type3A_14, %cond3A_15 : i32
    scf.if %cond3A_16 {
      %get3A_17 = arith.constant 0 : index
      %get3A_18 = arith.constant 0 : index
      %get3A_19 = vector.load %arg4[%get3A_17, %get3A_18] : memref<256x1024xf32, #tpu.memory_space<vmem>>, vector<256x1024xf32>
      %convert_element_type3A_20 = arith.truncf %get3A_19 : vector<256x1024xf32> to vector<256x1024xbf16>
      %get3A_21 = arith.index_cast %get3A_2 : i32 to index
      %get3A_22 = arith.constant 0 : index
      %get3A_23 = arith.constant 0 : index
      %get3A_24 = vector.load %arg9[%get3A_21, %get3A_22, %get3A_23] : memref<2x512x1024xf32, #tpu.memory_space<vmem>>, vector<1x512x1024xf32>
      %get3A_25 = vector.shape_cast %get3A_24 : vector<1x512x1024xf32> to vector<512x1024xf32>
      %convert_element_type3A_26 = arith.truncf %get3A_25 : vector<512x1024xf32> to vector<512x1024xbf16>
      %get3A_27 = arith.index_cast %get3A_2 : i32 to index
      %get3A_28 = arith.constant 0 : index
      %get3A_29 = arith.constant 0 : index
      %get3A_30 = vector.load %arg10[%get3A_27, %get3A_28, %get3A_29] : memref<2x512x1024xf32, #tpu.memory_space<vmem>>, vector<1x512x1024xf32>
      %get3A_31 = vector.shape_cast %get3A_30 : vector<1x512x1024xf32> to vector<512x1024xf32>
      %convert_element_type3A_32 = arith.truncf %get3A_31 : vector<512x1024xf32> to vector<512x1024xbf16>
      %get3A_33 = arith.index_cast %get3A_2 : i32 to index
      %get3A_34 = arith.constant 0 : index
      %get3A_35 = arith.constant 0 : index
      %get3A_36 = vector.load %arg11[%get3A_33, %get3A_34, %get3A_35] : memref<2x1024x512xf32, #tpu.memory_space<vmem>>, vector<1x1024x512xf32>
      %get3A_37 = vector.shape_cast %get3A_36 : vector<1x1024x512xf32> to vector<1024x512xf32>
      %convert_element_type3A_38 = arith.truncf %get3A_37 : vector<1024x512xf32> to vector<1024x512xbf16>
      %dot_general3A = arith.constant dense<0.000000e+00> : vector<256x512xf32>
      %dot_general3A_39 = tpu.matmul %convert_element_type3A_20, %convert_element_type3A_26, %dot_general3A {dimension_numbers = #tpu.dot_dimension_numbers<[1], [1], [0], [0], [0, 0, 1, 0], [], []>, transpose_lhs_hint = false} : vector<256x1024xbf16>, vector<512x1024xbf16>, vector<256x512xf32> -> vector<256x512xf32>
      %dot_general3A_40 = arith.constant dense<0.000000e+00> : vector<256x512xf32>
      %dot_general3A_41 = tpu.matmul %convert_element_type3A_20, %convert_element_type3A_32, %dot_general3A_40 {dimension_numbers = #tpu.dot_dimension_numbers<[1], [1], [0], [0], [0, 0, 1, 0], [], []>, transpose_lhs_hint = false} : vector<256x1024xbf16>, vector<512x1024xbf16>, vector<256x512xf32> -> vector<256x512xf32>
      %logistic3A = arith.negf %dot_general3A_39 : vector<256x512xf32>
      %logistic3A_42 = math.exp %logistic3A : vector<256x512xf32>
      %logistic3A_43 = arith.constant 1.000000e+00 : f32
      %logistic3A_44 = vector.broadcast %logistic3A_43 : f32 to vector<256x512xf32>
      %logistic3A_45 = arith.addf %logistic3A_44, %logistic3A_42 : vector<256x512xf32>
      %logistic3A_46 = arith.divf %logistic3A_44, %logistic3A_45 : vector<256x512xf32>
      %mul3A = arith.mulf %dot_general3A_39, %logistic3A_46 : vector<256x512xf32>
      %mul3A_47 = arith.mulf %mul3A, %dot_general3A_41 : vector<256x512xf32>
      %convert_element_type3A_48 = arith.truncf %mul3A_47 : vector<256x512xf32> to vector<256x512xbf16>
      %dot_general3A_49 = arith.constant dense<0.000000e+00> : vector<256x1024xf32>
      %dot_general3A_50 = tpu.matmul %convert_element_type3A_48, %convert_element_type3A_38, %dot_general3A_49 {dimension_numbers = #tpu.dot_dimension_numbers<[1], [1], [0], [0], [0, 0, 1, 0], [], []>, transpose_lhs_hint = false} : vector<256x512xbf16>, vector<1024x512xbf16>, vector<256x1024xf32> -> vector<256x1024xf32>
      %bitcast_convert_type3A = tpu.bitcast %dot_general3A_50 : vector<256x1024xf32> -> vector<256x1024xi32>
      %add3A = arith.constant 32767 : i32
      %add3A_51 = vector.broadcast %add3A : i32 to vector<256x1024xi32>
      %add3A_52 = arith.addi %bitcast_convert_type3A, %add3A_51 : vector<256x1024xi32>
      %shift_right_logical3A = arith.constant 16 : i32
      %shift_right_logical3A_53 = vector.broadcast %shift_right_logical3A : i32 to vector<256x1024xi32>
      %shift_right_logical3A_54 = arith.shrui %bitcast_convert_type3A, %shift_right_logical3A_53 : vector<256x1024xi32>
      %and3A_55 = arith.constant 1 : i32
      %and3A_56 = vector.broadcast %and3A_55 : i32 to vector<256x1024xi32>
      %and3A_57 = arith.andi %shift_right_logical3A_54, %and3A_56 : vector<256x1024xi32>
      %add3A_58 = arith.addi %add3A_52, %and3A_57 : vector<256x1024xi32>
      %shift_right_logical3A_59 = arith.constant 16 : i32
      %shift_right_logical3A_60 = vector.broadcast %shift_right_logical3A_59 : i32 to vector<256x1024xi32>
      %shift_right_logical3A_61 = arith.shrui %add3A_58, %shift_right_logical3A_60 : vector<256x1024xi32>
      %slice3A = vector.extract_strided_slice %shift_right_logical3A_61 {offsets = [0, 0], sizes = [256, 512], strides = [1, 1]} : vector<256x1024xi32> to vector<256x512xi32>
      %slice3A_62 = vector.extract_strided_slice %shift_right_logical3A_61 {offsets = [0, 512], sizes = [256, 512], strides = [1, 1]} : vector<256x1024xi32> to vector<256x512xi32>
      %shift_left3A = arith.constant 16 : i32
      %shift_left3A_63 = vector.broadcast %shift_left3A : i32 to vector<256x512xi32>
      %shift_left3A_64 = arith.shli %slice3A_62, %shift_left3A_63 : vector<256x512xi32>
      %or3A_65 = arith.ori %slice3A, %shift_left3A_64 : vector<256x512xi32>
      %swap3A = arith.constant 0 : index
      %swap3A_66 = arith.constant 0 : index
      %swap3A_67 = vector.load %arg8[%swap3A, %swap3A_66] : memref<256x512xi32, #tpu.memory_space<vmem>>, vector<256x512xi32>
      tpu.vector_store %arg8[%swap3A, %swap3A_66], %or3A_65 {strides = array<i32>} : memref<256x512xi32, #tpu.memory_space<vmem>>, vector<256x512xi32>,
    } else {
    }
    return
  }
  func.func @transform_0(%arg0: i32, %arg1: memref<23xi32, #tpu.memory_space<smem>>, %arg2: memref<23xi32, #tpu.memory_space<smem>>, %arg3: memref<23xi32, #tpu.memory_space<smem>>) -> (i32, i32) {
    %c0_i32 = arith.constant 0 : i32
    %c0_i32_0 = arith.constant 0 : i32
    return %arg0, %c0_i32 : i32, i32
  }
  func.func @transform_4(%arg0: i32, %arg1: memref<23xi32, #tpu.memory_space<smem>>, %arg2: memref<23xi32, #tpu.memory_space<smem>>, %arg3: memref<23xi32, #tpu.memory_space<smem>>) -> (i32, i32) {
    %c0_i32 = arith.constant 0 : i32
    %c0_i32_0 = arith.constant 0 : i32
    return %arg0, %c0_i32 : i32, i32
  }
}

module attributes {stable_mosaic.version = 14 : i64} {
  func.func @_shared_body(%arg0: i32, %arg1: memref<256x1024xf32, #tpu.memory_space<vmem>>, %arg2: memref<2048x1024xf32, #tpu.memory_space<vmem>>, %arg3: memref<2048x1024xf32, #tpu.memory_space<vmem>>, %arg4: memref<1024x2048xf32, #tpu.memory_space<vmem>>, %arg5: memref<1x1024xf32, #tpu.memory_space<vmem>>, %arg6: memref<256x1024xf32, #tpu.memory_space<vmem>>) attributes {dimension_semantics = [#tpu.dimension_semantics<arbitrary>], iteration_bounds = array<i64: 8>, scalar_prefetch = 0 : i64, scratch_operands = 0 : i64, tpu.core_type = #tpu.core_type<tc>, window_params = [{transform_indices = @transform_0, window_bounds = array<i64: 256, 1024>}, {pipeline_mode = #tpu.pipeline_mode<synchronous>, transform_indices = @transform_1, window_bounds = array<i64: 2048, 1024>}, {pipeline_mode = #tpu.pipeline_mode<synchronous>, transform_indices = @transform_2, window_bounds = array<i64: 2048, 1024>}, {pipeline_mode = #tpu.pipeline_mode<synchronous>, transform_indices = @transform_3, window_bounds = array<i64: 1024, 2048>}, {pipeline_mode = #tpu.pipeline_mode<synchronous>, transform_indices = @transform_4, window_bounds = array<i64: 1, 1024>}, {transform_indices = @transform_5, window_bounds = array<i64: 256, 1024>}]} {
    %get3A = arith.constant 0 : index
    %get3A_0 = arith.constant 0 : index
    %get3A_1 = vector.load %arg1[%get3A, %get3A_0] : memref<256x1024xf32, #tpu.memory_space<vmem>>, vector<256x1024xf32>
    %convert_element_type3A = arith.truncf %get3A_1 : vector<256x1024xf32> to vector<256x1024xbf16>
    %get3A_2 = arith.constant 0 : index
    %get3A_3 = arith.constant 0 : index
    %get3A_4 = vector.load %arg2[%get3A_2, %get3A_3] : memref<2048x1024xf32, #tpu.memory_space<vmem>>, vector<2048x1024xf32>
    %convert_element_type3A_5 = arith.truncf %get3A_4 : vector<2048x1024xf32> to vector<2048x1024xbf16>
    %dot_general3A = arith.constant dense<0.000000e+00> : vector<256x2048xf32>
    %dot_general3A_6 = tpu.matmul %convert_element_type3A, %convert_element_type3A_5, %dot_general3A {dimension_numbers = #tpu.dot_dimension_numbers<[1], [1], [0], [0], [0, 0, 1, 0], [], []>, transpose_lhs_hint = false} : vector<256x1024xbf16>, vector<2048x1024xbf16>, vector<256x2048xf32> -> vector<256x2048xf32>
    %get3A_7 = arith.constant 0 : index
    %get3A_8 = arith.constant 0 : index
    %get3A_9 = vector.load %arg3[%get3A_7, %get3A_8] : memref<2048x1024xf32, #tpu.memory_space<vmem>>, vector<2048x1024xf32>
    %convert_element_type3A_10 = arith.truncf %get3A_9 : vector<2048x1024xf32> to vector<2048x1024xbf16>
    %dot_general3A_11 = arith.constant dense<0.000000e+00> : vector<256x2048xf32>
    %dot_general3A_12 = tpu.matmul %convert_element_type3A, %convert_element_type3A_10, %dot_general3A_11 {dimension_numbers = #tpu.dot_dimension_numbers<[1], [1], [0], [0], [0, 0, 1, 0], [], []>, transpose_lhs_hint = false} : vector<256x1024xbf16>, vector<2048x1024xbf16>, vector<256x2048xf32> -> vector<256x2048xf32>
    %logistic3A = arith.negf %dot_general3A_6 : vector<256x2048xf32>
    %logistic3A_13 = math.exp %logistic3A : vector<256x2048xf32>
    %logistic3A_14 = arith.constant 1.000000e+00 : f32
    %logistic3A_15 = vector.broadcast %logistic3A_14 : f32 to vector<256x2048xf32>
    %logistic3A_16 = arith.addf %logistic3A_15, %logistic3A_13 : vector<256x2048xf32>
    %logistic3A_17 = arith.divf %logistic3A_15, %logistic3A_16 : vector<256x2048xf32>
    %mul3A = arith.mulf %dot_general3A_6, %logistic3A_17 : vector<256x2048xf32>
    %mul3A_18 = arith.mulf %mul3A, %dot_general3A_12 : vector<256x2048xf32>
    %convert_element_type3A_19 = arith.truncf %mul3A_18 : vector<256x2048xf32> to vector<256x2048xbf16>
    %get3A_20 = arith.constant 0 : index
    %get3A_21 = arith.constant 0 : index
    %get3A_22 = vector.load %arg4[%get3A_20, %get3A_21] : memref<1024x2048xf32, #tpu.memory_space<vmem>>, vector<1024x2048xf32>
    %convert_element_type3A_23 = arith.truncf %get3A_22 : vector<1024x2048xf32> to vector<1024x2048xbf16>
    %dot_general3A_24 = arith.constant dense<0.000000e+00> : vector<256x1024xf32>
    %dot_general3A_25 = tpu.matmul %convert_element_type3A_19, %convert_element_type3A_23, %dot_general3A_24 {dimension_numbers = #tpu.dot_dimension_numbers<[1], [1], [0], [0], [0, 0, 1, 0], [], []>, transpose_lhs_hint = false} : vector<256x2048xbf16>, vector<1024x2048xbf16>, vector<256x1024xf32> -> vector<256x1024xf32>
    %get3A_26 = arith.constant 0 : index
    %get3A_27 = arith.constant 0 : index
    %get3A_28 = vector.load %arg5[%get3A_26, %get3A_27] : memref<1x1024xf32, #tpu.memory_space<vmem>>, vector<1x1024xf32>
    %dot_general3A_29 = arith.constant dense<0.000000e+00> : vector<256x1xf32>
    %dot_general3A_30 = tpu.matmul %get3A_1, %get3A_28, %dot_general3A_29 {dimension_numbers = #tpu.dot_dimension_numbers<[1], [1], [0], [0], [0, 0, 1, 0], [], []>, transpose_lhs_hint = false} : vector<256x1024xf32>, vector<1x1024xf32>, vector<256x1xf32> -> vector<256x1xf32>
    %logistic3A_31 = arith.negf %dot_general3A_30 : vector<256x1xf32>
    %logistic3A_32 = math.exp %logistic3A_31 : vector<256x1xf32>
    %logistic3A_33 = arith.constant 1.000000e+00 : f32
    %logistic3A_34 = vector.broadcast %logistic3A_33 : f32 to vector<256x1xf32>
    %logistic3A_35 = arith.addf %logistic3A_34, %logistic3A_32 : vector<256x1xf32>
    %logistic3A_36 = arith.divf %logistic3A_34, %logistic3A_35 : vector<256x1xf32>
    %mul3A_37 = vector.broadcast %logistic3A_36 : vector<256x1xf32> to vector<256x1024xf32>
    %mul3A_38 = arith.mulf %mul3A_37, %dot_general3A_25 : vector<256x1024xf32>
    %swap3A = arith.constant 0 : index
    %swap3A_39 = arith.constant 0 : index
    %swap3A_40 = vector.load %arg6[%swap3A, %swap3A_39] : memref<256x1024xf32, #tpu.memory_space<vmem>>, vector<256x1024xf32>
    tpu.vector_store %arg6[%swap3A, %swap3A_39], %mul3A_38 {strides = array<i32>} : memref<256x1024xf32, #tpu.memory_space<vmem>>, vector<256x1024xf32>,
    return
  }
  func.func @transform_0(%arg0: i32) -> (i32, i32) {
    %c0_i32 = arith.constant 0 : i32
    %c0_i32_0 = arith.constant 0 : i32
    return %arg0, %c0_i32 : i32, i32
  }
  func.func @transform_1(%arg0: i32) -> (i32, i32) {
    %c0_i32 = arith.constant 0 : i32
    %c0_i32_0 = arith.constant 0 : i32
    %c0_i32_1 = arith.constant 0 : i32
    return %c0_i32, %c0_i32_0 : i32, i32
  }
  func.func @transform_2(%arg0: i32) -> (i32, i32) {
    %c0_i32 = arith.constant 0 : i32
    %c0_i32_0 = arith.constant 0 : i32
    %c0_i32_1 = arith.constant 0 : i32
    return %c0_i32, %c0_i32_0 : i32, i32
  }
  func.func @transform_3(%arg0: i32) -> (i32, i32) {
    %c0_i32 = arith.constant 0 : i32
    %c0_i32_0 = arith.constant 0 : i32
    %c0_i32_1 = arith.constant 0 : i32
    return %c0_i32, %c0_i32_0 : i32, i32
  }
  func.func @transform_4(%arg0: i32) -> (i32, i32) {
    %c0_i32 = arith.constant 0 : i32
    %c0_i32_0 = arith.constant 0 : i32
    %c0_i32_1 = arith.constant 0 : i32
    return %c0_i32, %c0_i32_0 : i32, i32
  }
  func.func @transform_5(%arg0: i32) -> (i32, i32) {
    %c0_i32 = arith.constant 0 : i32
    %c0_i32_0 = arith.constant 0 : i32
    return %arg0, %c0_i32 : i32, i32
  }
}

module attributes {stable_mosaic.version = 14 : i64} {
  func.func @_combine_body(%arg0: i32, %arg1: memref<512x512xi32, #tpu.memory_space<vmem>>, %arg2: memref<512x512xi32, #tpu.memory_space<vmem>>, %arg3: memref<512x1xf32, #tpu.memory_space<vmem>>, %arg4: memref<512x1xf32, #tpu.memory_space<vmem>>, %arg5: memref<512x1024xf32, #tpu.memory_space<vmem>>, %arg6: memref<512x1024xf32, #tpu.memory_space<vmem>>) attributes {dimension_semantics = [#tpu.dimension_semantics<arbitrary>], iteration_bounds = array<i64: 4>, scalar_prefetch = 0 : i64, scratch_operands = 0 : i64, tpu.core_type = #tpu.core_type<tc>, window_params = [{transform_indices = @transform_0, window_bounds = array<i64: 512, 512>}, {transform_indices = @transform_1, window_bounds = array<i64: 512, 512>}, {transform_indices = @transform_2, window_bounds = array<i64: 512, 1>}, {transform_indices = @transform_3, window_bounds = array<i64: 512, 1>}, {transform_indices = @transform_4, window_bounds = array<i64: 512, 1024>}, {transform_indices = @transform_5, window_bounds = array<i64: 512, 1024>}]} {
    %get3A = arith.constant 0 : index
    %get3A_0 = arith.constant 0 : index
    %get3A_1 = vector.load %arg3[%get3A, %get3A_0] : memref<512x1xf32, #tpu.memory_space<vmem>>, vector<512x1xf32>
    %get3A_2 = arith.constant 0 : index
    %get3A_3 = arith.constant 0 : index
    %get3A_4 = vector.load %arg1[%get3A_2, %get3A_3] : memref<512x512xi32, #tpu.memory_space<vmem>>, vector<512x512xi32>
    %shift_left3A = arith.constant 16 : i32
    %shift_left3A_5 = vector.broadcast %shift_left3A : i32 to vector<512x512xi32>
    %shift_left3A_6 = arith.shli %get3A_4, %shift_left3A_5 : vector<512x512xi32>
    %bitcast_convert_type3A = tpu.bitcast %shift_left3A_6 : vector<512x512xi32> -> vector<512x512xf32>
    %and3A = arith.constant -65536 : i32
    %and3A_7 = vector.broadcast %and3A : i32 to vector<512x512xi32>
    %and3A_8 = arith.andi %get3A_4, %and3A_7 : vector<512x512xi32>
    %bitcast_convert_type3A_9 = tpu.bitcast %and3A_8 : vector<512x512xi32> -> vector<512x512xf32>
    %concatenate3A = tpu.concatenate %bitcast_convert_type3A, %bitcast_convert_type3A_9 in 1 : vector<512x512xf32>, vector<512x512xf32> -> vector<512x1024xf32>
    %mul3A = vector.broadcast %get3A_1 : vector<512x1xf32> to vector<512x1024xf32>
    %mul3A_10 = arith.mulf %mul3A, %concatenate3A : vector<512x1024xf32>
    %get3A_11 = arith.constant 0 : index
    %get3A_12 = arith.constant 0 : index
    %get3A_13 = vector.load %arg4[%get3A_11, %get3A_12] : memref<512x1xf32, #tpu.memory_space<vmem>>, vector<512x1xf32>
    %get3A_14 = arith.constant 0 : index
    %get3A_15 = arith.constant 0 : index
    %get3A_16 = vector.load %arg2[%get3A_14, %get3A_15] : memref<512x512xi32, #tpu.memory_space<vmem>>, vector<512x512xi32>
    %shift_left3A_17 = arith.constant 16 : i32
    %shift_left3A_18 = vector.broadcast %shift_left3A_17 : i32 to vector<512x512xi32>
    %shift_left3A_19 = arith.shli %get3A_16, %shift_left3A_18 : vector<512x512xi32>
    %bitcast_convert_type3A_20 = tpu.bitcast %shift_left3A_19 : vector<512x512xi32> -> vector<512x512xf32>
    %and3A_21 = arith.constant -65536 : i32
    %and3A_22 = vector.broadcast %and3A_21 : i32 to vector<512x512xi32>
    %and3A_23 = arith.andi %get3A_16, %and3A_22 : vector<512x512xi32>
    %bitcast_convert_type3A_24 = tpu.bitcast %and3A_23 : vector<512x512xi32> -> vector<512x512xf32>
    %concatenate3A_25 = tpu.concatenate %bitcast_convert_type3A_20, %bitcast_convert_type3A_24 in 1 : vector<512x512xf32>, vector<512x512xf32> -> vector<512x1024xf32>
    %mul3A_26 = vector.broadcast %get3A_13 : vector<512x1xf32> to vector<512x1024xf32>
    %mul3A_27 = arith.mulf %mul3A_26, %concatenate3A_25 : vector<512x1024xf32>
    %add3A = arith.addf %mul3A_10, %mul3A_27 : vector<512x1024xf32>
    %get3A_28 = arith.constant 0 : index
    %get3A_29 = arith.constant 0 : index
    %get3A_30 = vector.load %arg5[%get3A_28, %get3A_29] : memref<512x1024xf32, #tpu.memory_space<vmem>>, vector<512x1024xf32>
    %add3A_31 = arith.addf %add3A, %get3A_30 : vector<512x1024xf32>
    %swap3A = arith.constant 0 : index
    %swap3A_32 = arith.constant 0 : index
    %swap3A_33 = vector.load %arg6[%swap3A, %swap3A_32] : memref<512x1024xf32, #tpu.memory_space<vmem>>, vector<512x1024xf32>
    tpu.vector_store %arg6[%swap3A, %swap3A_32], %add3A_31 {strides = array<i32>} : memref<512x1024xf32, #tpu.memory_space<vmem>>, vector<512x1024xf32>,
    return
  }
  func.func @transform_0(%arg0: i32) -> (i32, i32) {
    %c0_i32 = arith.constant 0 : i32
    %c0_i32_0 = arith.constant 0 : i32
    return %arg0, %c0_i32 : i32, i32
  }
  func.func @transform_1(%arg0: i32) -> (i32, i32) {
    %c0_i32 = arith.constant 0 : i32
    %c0_i32_0 = arith.constant 0 : i32
    return %arg0, %c0_i32 : i32, i32
  }
  func.func @transform_2(%arg0: i32) -> (i32, i32) {
    %c0_i32 = arith.constant 0 : i32
    %c0_i32_0 = arith.constant 0 : i32
    return %arg0, %c0_i32 : i32, i32
  }
  func.func @transform_3(%arg0: i32) -> (i32, i32) {
    %c0_i32 = arith.constant 0 : i32
    %c0_i32_0 = arith.constant 0 : i32
    return %arg0, %c0_i32 : i32, i32
  }
  func.func @transform_4(%arg0: i32) -> (i32, i32) {
    %c0_i32 = arith.constant 0 : i32
    %c0_i32_0 = arith.constant 0 : i32
    return %arg0, %c0_i32 : i32, i32
  }
  func.func @transform_5(%arg0: i32) -> (i32, i32) {
    %c0_i32 = arith.constant 0 : i32
    %c0_i32_0 = arith.constant 0 : i32
    return %arg0, %c0_i32 : i32, i32
  }
}

</mosaic_0001>

<sc_bundles>
// kernel: kernel.11.cloned.1.call-start
scs
__scs_entry_jumppad:
0x0: {  	(pc) =	sbr.rel $0x88, $3  }
0x1: {  	(tag) =	ssettag $0x0;
	lr =	simm.s32 $0x1  }
0x2: {  	[smem:$0x3F98] =	sst lr;
	_ =	strace $0xD0000000  }
0x3: {  	_ = 	snop  }
0x4: {  	_ = 	snop  }
0x5: {  	_ = 	snop  }
0x6: {  	_ = 	snop  }
0x7: {  	_ = 	snop  }
__scs_overlays_trampoline_lowered:
0x8: {  	[smem:$0x3FA7] =	sst s0  }
0x9: {  	[smem:$0x3FA8] =	sst s1  }
0xa: {  	[smem:$0x3FA9] =	sst s2  }
0xb: {  	[smem:$0x3FAA] =	sst s3  }
0xc: {  	[smem:$0x3FAB] =	sst s4  }
0xd: {  	[smem:$0x3FAC] =	sst s5  }
0xe: {  	[smem:$0x3FAD] =	sst s6  }
0xf: {  	[smem:$0x3FAE] =	sst s7  }
0x10: {  	[smem:$0x3FAF] =	sst s8  }
0x11: {  	[smem:$0x3FB0] =	sst s9;
	s0 =	simm.s32 @!p0 $0x0  }
0x12: {  	s1 =	sld [smem:$0x3F96];
	s0 =	simm.s32 @p0 $0x1  }
0x13: {  	[smem:$0x3FB1] =	sst s0;
	s0 =	simm.s32 @!p1 $0x0  }
0x14: {  	s2 =	sld [smem:$0x3F95];
	s0 =	simm.s32 @p1 $0x1  }
0x15: {  	[smem:$0x3FB2] =	sst s0;
	s0 =	simm.s32 @!p2 $0x0  }
0x16: {  	s3 =	sld [smem:$0x3FDB];
	s0 =	simm.s32 @p2 $0x1  }
0x17: {  	s4 =	simm.s32 $0x1BF5;
	[smem:$0x3FB4] =	sst s0  }
0x18: {  	s0 =	sld [smem:$0x3F97];
	_ =	swait.ge [sflag:s4], $0x0  }
0x19: {  	s7 =	sld [smem:$0x3F98]  }
0x1a: {  	s8 =	sadd.s32 $0xFFFFE003, lr  }
0x1b: {  	s9 =	sadd.s32 $0xFFFFFEF7, lr;
	s5 =	simm.s32 $0xFFFFFFFF;
	p2 =	slt.u32 s8, $0xFFFFF086  }
0x1c: {  	p1 =	slt.u32 s9, $0xF7A;
	s5 =	simm.s32 @!p2 $0x0  }
0x1d: {  	s5 =	simm.s32 @p1 $0x1;
	p0 =	seq.s32 s7, s2  }
0x1e: {  	s7 =	smul.u32 @!p0 $0xF7A, s2;
	p2 =	seq.s32 @!p0 s5, $0x0  }
0x1f: {  	s9 =	smul.u32 $0xF7A, s1;
	s8 =	simm.s32 @!p0 $0x1BF5;
	p2 =	por !p2, p0  }
0x20: {  	[sflag:s8] =	ssyncset.s32 @!p0 $0xFFFFF086;
	s6 =	sadd.s32 @!p0 s3, s7;
	s7 =	simm.s32 @!p0 $0x108  }
0x21: {  	s3 =	sadd.s32 s3, s9;
	s6 =	sadd.s32 @!p0 $0x88, s6;
	s7 =	simm.s32 @p2 $0x1082  }
0x22: {  	[simem:s7], [sflag:s8] =	dma.local @!p0 [hbm:s6], $0xF7A  }
0x23: {  	s9 =	sor.u32 $0xD0000000, s2;
	s6 =	simm.s32 $0x108;
	_ =	swait.ge @!p0 [sflag:s8], $0x0  }
0x24: {  	s3 =	sadd.s32 $0x88, s3;
	s6 =	simm.s32 @!p1 $0x1082;
	[sflag:s4] =	ssyncset.s32 $0xFFFFF086  }
0x25: {  	[simem:s6], [sflag:s4] =	dma.local [hbm:s3], $0xF7A  }
0x26: {  	[smem:$0x3F98] =	sst s1;
	(tag) =	ssettag s2;
	_ =	strace s9  }
0x27: {  	s1 =	sld [smem:$0x3FA8]  }
0x28: {  	s2 =	sld [smem:$0x3FA9]  }
0x29: {  	s4 =	sld [smem:$0x3FAB]  }
0x2a: {  	p0 =	seq.s32 s5, $0x0;
	s5 =	sld [smem:$0x3FAC]  }
0x2b: {  	s6 =	sld [smem:$0x3FAD]  }
0x2c: {  	s7 =	sld [smem:$0x3FAE]  }
0x2d: {  	s3 =	simm.s32 $0x108;
	s8 =	sld [smem:$0x3FAF]  }
0x2e: {  	s3 =	simm.s32 @!p0 $0x1082;
	s9 =	sld [smem:$0x3FB0]  }
0x2f: {  	lr =	sadd.s32 s0, s3;
	s0 =	sld [smem:$0x3FA7]  }
0x30: {  	s3 =	sld [smem:$0x3FAA]  }
0x31: {  	[smem:$0x3FB3] =	sst s10  }
0x32: {  	s10 =	sld [smem:$0x3FB1];
	_ =	sdelay $0x3  }
0x33: {  	p0 =	seq.s32 s10, $0x1;
	s10 =	sld [smem:$0x3FB3];
	_ =	sdelay $0x3  }
0x34: {  	[smem:$0x3FB3] =	sst s10  }
0x35: {  	s10 =	sld [smem:$0x3FB2];
	_ =	sdelay $0x3  }
0x36: {  	p1 =	seq.s32 s10, $0x1;
	s10 =	sld [smem:$0x3FB3];
	_ =	sdelay $0x3  }
0x37: {  	[smem:$0x3FB3] =	sst s10  }
0x38: {  	s10 =	sld [smem:$0x3FB4]  }
0x39: {  	_ = 	snop;
	(pc) =	sbr.ind lr, $3  }
0x3a: {  	_ = 	snop  }
0x3b: {  	_ = 	snop  }
0x3c: {  	p2 =	seq.s32 s10, $0x1;
	s10 =	sld [smem:$0x3FB3]  }
0x3d: {  	_ =	shalt  }
0x3e: {  	_ =	shalt  }
0x3f: {  	_ =	shalt  }
0x40: {  	_ =	shalt  }
0x41: {  	_ =	shalt  }
0x42: {  	_ =	shalt  }
0x43: {  	_ =	shalt  }
0x44: {  	_ =	shalt  }
0x45: {  	_ =	shalt  }
0x46: {  	_ =	shalt  }
0x47: {  	_ =	shalt  }
0x48: {  	_ =	shalt  }
0x49: {  	_ =	shalt  }
0x4a: {  	_ =	shalt  }
0x4b: {  	_ =	shalt  }
0x4c: {  	_ =	shalt  }
0x4d: {  	_ =	shalt  }
0x4e: {  	_ =	shalt  }
0x4f: {  	_ =	shalt  }
0x50: {  	_ =	shalt  }
0x51: {  	_ =	shalt  }
0x52: {  	_ =	shalt  }
0x53: {  	_ =	shalt  }
0x54: {  	_ =	shalt  }
0x55: {  	_ =	shalt  }
0x56: {  	_ =	shalt  }
0x57: {  	_ =	shalt  }
0x58: {  	_ =	shalt  }
0x59: {  	_ =	shalt  }
0x5a: {  	_ =	shalt  }
0x5b: {  	_ =	shalt  }
0x5c: {  	_ =	shalt  }
0x5d: {  	_ =	shalt  }
0x5e: {  	_ =	shalt  }
0x5f: {  	_ =	shalt  }
0x60: {  	_ =	shalt  }
0x61: {  	_ =	shalt  }
0x62: {  	_ =	shalt  }
0x63: {  	_ =	shalt  }
0x64: {  	_ =	shalt  }
0x65: {  	_ =	shalt  }
0x66: {  	_ =	shalt  }
0x67: {  	_ =	shalt  }
0x68: {  	_ =	shalt  }
0x69: {  	_ =	shalt  }
0x6a: {  	_ =	shalt  }
0x6b: {  	_ =	shalt  }
0x6c: {  	_ =	shalt  }
0x6d: {  	_ =	shalt  }
0x6e: {  	_ =	shalt  }
0x6f: {  	_ =	shalt  }
0x70: {  	_ =	shalt  }
0x71: {  	_ =	shalt  }
0x72: {  	_ =	shalt  }
0x73: {  	_ =	shalt  }
0x74: {  	_ =	shalt  }
0x75: {  	_ =	shalt  }
0x76: {  	_ =	shalt  }
0x77: {  	_ =	shalt  }
0x78: {  	_ =	shalt  }
0x79: {  	_ =	shalt  }
0x7a: {  	_ =	shalt  }
0x7b: {  	_ =	shalt  }
0x7c: {  	_ =	shalt  }
0x7d: {  	_ =	shalt  }
0x7e: {  	_ =	shalt  }
0x7f: {  	_ =	shalt  }
0x80: {  	_ =	shalt  }
0x81: {  	_ =	shalt  }
0x82: {  	_ =	shalt  }
0x83: {  	_ =	shalt  }
0x84: {  	_ =	shalt  }
0x85: {  	_ =	shalt  }
0x86: {  	_ =	shalt  }
0x87: {  	_ =	shalt  }
.Lfunc_end0:
.L_simem_size_0:
called_computation.1_lowered:
.L_overlay_start_0:
0x88: {  	s2 =	sld [smem:$0x3FD9]  }
0x89: {  	s3 =	sld [smem:$0x3FFE];
	_ =	sdelay $0x1  }
0x8a: {  	s1 =	srdreg.scid  }
0x8b: {  	s0 =	sand.u32 $0x1, s1  }
0x8c: {  	s16 =	sshll.u32 s0, $0xA;
	s2 =	sadd.s32 s3, s2  }
0x8d: {  	s2 =	sadd.s32 s2, s16  }
0x8e: {  	[smem:$0x3FBF] =	sst s2  }
0x8f: {  	_ = 	snop  }
0x90: {  	(tm) =	ssettm $0x1  }
0x91: {  	s17 =	sld [smem:$0x3FFB];
	_ =	sdelay $0x3  }
0x92: {  	_ =	strace s17  }
0x93: {  	s2 =	sld [smem:$0x3FFC];
	_ =	sdelay $0x3  }
0x94: {  	_ =	strace s2  }
0x95: {  	s2 =	sld [smem:$0x3FFD];
	_ =	sdelay $0x3  }
0x96: {  	_ =	strace s2  }
0x97: {  	_ =	strace $0x8FFFFFFF  }
0x98: {  	s18 =	sld [smem:$0x3FDB];
	_ =	sdelay $0x1  }
0x99: {  	s19 =	simm.s32 $_scs_section_size  }
0x9a: {  	s4 =	simm.s32 $_size__tile_overlayer_lowered;
	s5 =	simm.s32 $_tile_overlayer_lowered  }
0x9b: {  	s22 =	simm.s32 $0x1BFF;
	s21 =	sshll.u32 s5, $0x1;
	s2 =	sadd.s32 s19, s18  }
0x9c: {  	s6 =	simm.s32 $0x0;
	s20 =	sshll.u32 s4, $0x1;
	s4 =	sadd.s32 s21, s2  }
0x9d: {  	[timem:s6], [sflag:s22] =	dma.local [hbm:s4], s20  }
0x9e: {  	_ =	swait.ge [sflag:s22], s20  }
0x9f: {  	s3 =	ssub.s32 $0x0, s20;
	[sflag:s22] =	ssyncset.done $0x0  }
0xa0: {  	[sflag:s22] =	ssyncadd.s32 s3;
	_ =	sdelay $0x1  }
0xa1: {  	s23 =	simm.s32 $0x1B8B  }
0xa2: {  	_ =	swait.ge [sflag:s23], $0x1  }
0xa3: {  	[sflag:s23] =	ssyncset.done $0x0  }
0xa4: {  	s25 =	simm.s32 $0x1B8E;
	s24 =	sld [smem:$0x3FFE];
	[sflag:s23] =	ssyncadd.s32 $0xFFFFFFFF  }
0xa5: {  	s26 =	simm.s32 $execute0_lowered;
	[smem:$0x3FD2] =	sst s25  }
0xa6: {  	s4 =	sshll.u32 s26, $0x1;
	_ =	strace $0x80000049;
	[dreg:$0x1] =	wrdreg $0xFFFFFFFF  }
0xa7: {  	s28 =	simm.s32 $_size_execute0_lowered;
	s2 =	sadd.s32 s2, s4;
	[dreg:$0x0] =	wrdreg $0x0  }
0xa8: {  	s4 =	sshll.u32 s28, $0x1;
	[dreg:$0x2] =	wrdreg s2  }
0xa9: {  	[dreg:$0x3] =	wrdreg s4  }
0xaa: {  	[dreg:$0x4] =	wrdreg $0xC0  }
0xab: {  	_ =	task [dreg:s6], $0x5FFFF  }
0xac: {  	[dreg:$0x1] =	wrdreg $0xFFFFFFFF  }
0xad: {  	[dreg:$0x0] =	wrdreg $0x60  }
0xae: {  	[dreg:$0x2] =	wrdreg s24  }
0xaf: {  	[dreg:$0x3] =	wrdreg $0x9  }
0xb0: {  	_ =	task.clear_ibuf [dreg:s6], $0x4FFFF;
	_ =	strace $0x90000049  }
0xb1: {  	s29 =	simm.s32 $0x9;
	_ =	strace $0x8000004B  }
0xb2: {  	_ =	swait.ge [sflag:s29], $0x1  }
0xb3: {  	[sflag:s29] =	ssyncadd.s32 $0xFFFFFFFF  }
0xb4: {  	_ =	strace $0x9000004B  }
0xb5: {  	_ =	sfence  }
0xb6: {  	s30 =	sld [smem:$0x0];
	_ =	sdelay $0x2  }
0xb7: {  	s31 =	sshll.u32 s1, $0xD;
	s1 =	sshrl.u32 s1, $0x2  }
0xb8: {  	s3 =	sand.u32 $0x4000, s31;
	s1 =	sadd.s32 s1, s30  }
0xb9: {  	s0 =	sor.u32 s3, s0;
	s1 =	sshll.u32 s1, $0x11  }
0xba: {  	s0 =	sor.u32 s1, s0  }
0xbb: {  	s0 =	sadd.s32 $0x8F2B, s0  }
0xbc: {  	[sflag:s0] =	ssyncadd.remote.s32 $0x1  }
0xbd: {  	_ =	sfence.sel $0xFFFF  }
0xbe: {  	[dreg:$0x0] =	wrdreg $0xFFFFFFFF;
	(pc) =	sbr.abs _section_cstart, $3  }
0xbf: {  	[dreg:$0x1] =	wrdreg $0xFFFFFFFF  }
0xc0: {  	_ =	task.clear_ibuf [dreg:s6], $0x2FFFF;
	_ =	strace $0x9FFFFFFF  }
0xc1: {  	(tm) =	ssettm $0x7FFFFFFF  }
tec
execute0_lowered:
.L_overlay_start_1:
0x0: {  	(tag) =	ssettag $0x1  }
0x1: {  	s5 =	rddreg [dreg:$0x0]  }
0x2: {  	s0 =	rddreg [dreg:$0x1];
	s1 =	simm.s32 $0x0  }
0x3: {  	s4 =	srdreg.scid;
	s2 =	stileid.u32;
	s15 =	simm.s32 $0x2080  }
0x4: {  	s16 =	simm.s32 $0x2880;
	s17 =	simm.s32 $0x3080;
	s18 =	simm.s32 $0x3880  }
0x5: {  	s19 =	simm.s32 $0x4080;
	s20 =	simm.s32 $0x4880;
	s21 =	simm.s32 $0x5080  }
0x6: {  	s22 =	simm.s32 $0x5880;
	s23 =	simm.s32 $0x6080;
	s24 =	simm.s32 $0x6880  }
0x7: {  	s25 =	simm.s32 $0x7080;
	s26 =	simm.s32 $0x7880;
	s28 =	simm.s32 $0x1  }
0x8: {  	[smem:$0x7FF] =	sst s1;
	s3 =	sadd.s32 $0x2A00, s5;
	s4 =	sand.u32 $0x1, s4  }
0x9: {  	s7 =	sadd.s32 $0x2800, s5;
	s6 =	sshll.u32 s2, $0x8;
	s9 =	sadd.s32 $0x5EA00, s5  }
0xa: {  	s10 =	sadd.s32 $0x7EA00, s5;
	s5 =	sadd.s32 $0x2B00, s5;
	s8 =	sshll.u32 s4, $0x7  }
0xb: {  	p0 =	sgt.u32 s2, $0x7;
	s4 =	ssub.s32 $0x2, s4;
	s8 =	sor.u32 s8, s6  }
0xc: {  	_ =	strace $0x8000004A;
	s29 =	sshrl.u32 s4, $0x1;
	s11 =	sshrl.u32 s8, $0x3  }
0xd: {  	s12 =	ssub.s32 s4, s29;
	s30 =	sshll.u32 s8, $0x9;
	s31 =	sshll.u32 s8, $0x6  }
0xe: {  	s8 =	sor.u32 $0x40, s8;
	s4 =	sadd.s32 s7, s11;
	s13 =	sadd.s32 $0xFFF00000, s30  }
0xf: {  	s6 =	sadd.s32 s9, s31;
	s11 =	sadd.s32 $0xFFF08000, s30;
	s14 =	sshrl.u32 s8, $0x3  }
0x10: {  	s8 =	sshll.u32 s8, $0x6;
	s13 =	sshrl.u32 s13, $0x3;
	s11 =	sshrl.u32 s11, $0x3  }
0x11: {  	s7 =	sadd.s32 s7, s14;
	s8 =	sadd.s32 s9, s8;
	s9 =	smax.u32 s12, $0x1  }
0x12: {  	v2 =	vlaneseq.u32;
	s12 =	simm.s32 $0x880;
	s14 =	simm.s32 $0x1880;
	s13 =	sadd.s32 s10, s13  }
0x13: {  	vm0 =	vmmov $0xffff;
	v1 =	vshrl.u32 v2, $0x3;
	s10 =	sadd.s32 s10, s11;
	s11 =	simm.s32 $0x80;
	s6 =	smov.u32 @p0 s13  }
0x14: {  	v0 =	vand.u32 $0x7, v2;
	v2 =	vor.u32 $0x8, v2;
	v1 =	vmul.u32 $0x8, v1;
	s8 =	smov.u32 @p0 s10;
	s10 =	simm.s32 $0x2;
	s13 =	simm.s32 $0x1080  }
.LBB2_1:
0x15: {  	[tilespmem:s1], [sflag:$0x2] =	stream.linear.gather [hbm4b:s4+s1], $0x40, $0x38;
	[tilespmem:$0x8080] =	vst v63  }
0x16: {  	_ =	swait.ge [sflag:s10], $0x40  }
0x17: {  	[sflag:s10] =	ssyncset.done $0x0  }
0x18: {  	[sflag:s10] =	ssyncadd.s32 $0xFFFFFFC0  }
0x19: {  	v3 =	vld [tilespmem:$0x0];
	_ =	sdelay $0x4  }
0x1a: {  	v4 =	vshll.u32 v3, $0x2  }
0x1b: {  	v3 =	vand.u32 $0x7, v3;
	v4 =	vand.u32 $0xFFFFFFE0, v4  }
0x1c: {  	v3 =	vor.u32 v3, v4  }
0x1d: {  	v4 =	vperm.xlane v3, v0;
	_ =	sdelay $0x1  }
0x1e: {  	v4 =	vadd.s32 v1, v4;
	_ =	sdelay $0x1  }
0x1f: {  	v3 =	vperm.xlane v3, v2;
	_ =	sdelay $0x1  }
0x20: {  	v3 =	vadd.s32 v1, v3  }
0x21: {  	[tilespmem:s11], [sflag:$0x1] =	stream.indirect_vreg.gather [hbm4b:s3+s1], $0x80, v4, vm0, $0xb8;
	[tilespmem:$0x8080] =	vst v63  }
0x22: {  	_ = 	snop  }
0x23: {  	[tilespmem:s12], [sflag:$0x1] =	stream.indirect_vreg.gather [hbm4b:s5+s1], $0x80, v4, vm0, $0xb8;
	[tilespmem:$0x8080] =	vst v63  }
0x24: {  	_ = 	snop  }
0x25: {  	[tilespmem:s13], [sflag:$0x1] =	stream.indirect_vreg.gather [hbm4b:s3+s1], $0x80, v3, vm0, $0xb8;
	[tilespmem:$0x8080] =	vst v63  }
0x26: {  	_ = 	snop  }
0x27: {  	[tilespmem:s14], [sflag:$0x1] =	stream.indirect_vreg.gather [hbm4b:s5+s1], $0x80, v3, vm0, $0xb8;
	[tilespmem:$0x8080] =	vst v63  }
0x28: {  	v3 =	vld [tilespmem:$0x10];
	_ =	sdelay $0x4  }
0x29: {  	v57 =	vshll.u32 v3, $0x2  }
0x2a: {  	v3 =	vand.u32 $0x7, v3;
	v4 =	vand.u32 $0xFFFFFFE0, v57  }
0x2b: {  	v3 =	vor.u32 v3, v4  }
0x2c: {  	v4 =	vperm.xlane v3, v0;
	_ =	sdelay $0x1  }
0x2d: {  	v4 =	vadd.s32 v1, v4;
	_ =	sdelay $0x1  }
0x2e: {  	v3 =	vperm.xlane v3, v2;
	_ =	sdelay $0x1  }
0x2f: {  	v3 =	vadd.s32 v1, v3  }
0x30: {  	[tilespmem:s15], [sflag:$0x1] =	stream.indirect_vreg.gather [hbm4b:s3+s1], $0x80, v4, vm0, $0xb8;
	[tilespmem:$0x8080] =	vst v63  }
0x31: {  	_ = 	snop  }
0x32: {  	[tilespmem:s16], [sflag:$0x1] =	stream.indirect_vreg.gather [hbm4b:s5+s1], $0x80, v4, vm0, $0xb8;
	[tilespmem:$0x8080] =	vst v63  }
0x33: {  	_ = 	snop  }
0x34: {  	[tilespmem:s17], [sflag:$0x1] =	stream.indirect_vreg.gather [hbm4b:s3+s1], $0x80, v3, vm0, $0xb8;
	[tilespmem:$0x8080] =	vst v63  }
0x35: {  	_ = 	snop  }
0x36: {  	[tilespmem:s18], [sflag:$0x1] =	stream.indirect_vreg.gather [hbm4b:s5+s1], $0x80, v3, vm0, $0xb8;
	[tilespmem:$0x8080] =	vst v63  }
0x37: {  	v3 =	vld [tilespmem:$0x20];
	_ =	sdelay $0x4  }
0x38: {  	v58 =	vshll.u32 v3, $0x2  }
0x39: {  	v3 =	vand.u32 $0x7, v3;
	v4 =	vand.u32 $0xFFFFFFE0, v58  }
0x3a: {  	v3 =	vor.u32 v3, v4  }
0x3b: {  	v4 =	vperm.xlane v3, v0;
	_ =	sdelay $0x1  }
0x3c: {  	v4 =	vadd.s32 v1, v4;
	_ =	sdelay $0x1  }
0x3d: {  	v3 =	vperm.xlane v3, v2;
	_ =	sdelay $0x1  }
0x3e: {  	v3 =	vadd.s32 v1, v3  }
0x3f: {  	[tilespmem:s19], [sflag:$0x1] =	stream.indirect_vreg.gather [hbm4b:s3+s1], $0x80, v4, vm0, $0xb8;
	[tilespmem:$0x8080] =	vst v63  }
0x40: {  	_ = 	snop  }
0x41: {  	[tilespmem:s20], [sflag:$0x1] =	stream.indirect_vreg.gather [hbm4b:s5+s1], $0x80, v4, vm0, $0xb8;
	[tilespmem:$0x8080] =	vst v63  }
0x42: {  	_ = 	snop  }
0x43: {  	[tilespmem:s21], [sflag:$0x1] =	stream.indirect_vreg.gather [hbm4b:s3+s1], $0x80, v3, vm0, $0xb8;
	[tilespmem:$0x8080] =	vst v63  }
0x44: {  	_ = 	snop  }
0x45: {  	[tilespmem:s22], [sflag:$0x1] =	stream.indirect_vreg.gather [hbm4b:s5+s1], $0x80, v3, vm0, $0xb8;
	[tilespmem:$0x8080] =	vst v63  }
0x46: {  	v3 =	vld [tilespmem:$0x30];
	_ =	sdelay $0x4  }
0x47: {  	v59 =	vshll.u32 v3, $0x2  }
0x48: {  	v3 =	vand.u32 $0x7, v3;
	v4 =	vand.u32 $0xFFFFFFE0, v59  }
0x49: {  	v3 =	vor.u32 v3, v4  }
0x4a: {  	v4 =	vperm.xlane v3, v0;
	_ =	sdelay $0x1  }
0x4b: {  	v4 =	vadd.s32 v1, v4;
	_ =	sdelay $0x1  }
0x4c: {  	v3 =	vperm.xlane v3, v2;
	_ =	sdelay $0x1  }
0x4d: {  	v3 =	vadd.s32 v1, v3  }
0x4e: {  	[tilespmem:s23], [sflag:$0x1] =	stream.indirect_vreg.gather [hbm4b:s3+s1], $0x80, v4, vm0, $0xb8;
	[tilespmem:$0x8080] =	vst v63  }
0x4f: {  	_ = 	snop  }
0x50: {  	[tilespmem:s24], [sflag:$0x1] =	stream.indirect_vreg.gather [hbm4b:s5+s1], $0x80, v4, vm0, $0xb8;
	[tilespmem:$0x8080] =	vst v63  }
0x51: {  	_ = 	snop  }
0x52: {  	[tilespmem:s25], [sflag:$0x1] =	stream.indirect_vreg.gather [hbm4b:s3+s1], $0x80, v3, vm0, $0xb8;
	[tilespmem:$0x8080] =	vst v63  }
0x53: {  	_ = 	snop  }
0x54: {  	[tilespmem:s26], [sflag:$0x1] =	stream.indirect_vreg.gather [hbm4b:s5+s1], $0x80, v3, vm0, $0xb8;
	[tilespmem:$0x8080] =	vst v63  }
0x55: {  	_ =	swait.ge [sflag:s28], $0x8000  }
0x56: {  	[sflag:s28] =	ssyncset.done $0x0  }
0x57: {  	[sflag:s28] =	ssyncadd.s32 $0xFFFF8000  }
0x58: {  	[hbm4b:s6+s1] =	stream.linear.scatter [tilespmem:s11], [sflag:$0x2], $0x8000, $0x38;
	[tilespmem:$0x8080] =	vst v63  }
0x59: {  	_ =	swait.ge [sflag:s10], $0x8000  }
0x5a: {  	[sflag:s10] =	ssyncset.done $0x0  }
0x5b: {  	[sflag:s10] =	ssyncadd.s32 $0xFFFF8000  }
0x5c: {  	[tilespmem:s1], [sflag:$0x2] =	stream.linear.gather [hbm4b:s7+s1], $0x40, $0x38;
	[tilespmem:$0x8080] =	vst v63  }
0x5d: {  	_ =	swait.ge [sflag:s10], $0x40  }
0x5e: {  	[sflag:s10] =	ssyncset.done $0x0  }
0x5f: {  	[sflag:s10] =	ssyncadd.s32 $0xFFFFFFC0  }
0x60: {  	v3 =	vld [tilespmem:$0x0];
	_ =	sdelay $0x4  }
0x61: {  	v60 =	vshll.u32 v3, $0x2  }
0x62: {  	v3 =	vand.u32 $0x7, v3;
	v4 =	vand.u32 $0xFFFFFFE0, v60  }
0x63: {  	v3 =	vor.u32 v3, v4  }
0x64: {  	v4 =	vperm.xlane v3, v0;
	_ =	sdelay $0x1  }
0x65: {  	v4 =	vadd.s32 v1, v4;
	_ =	sdelay $0x1  }
0x66: {  	v3 =	vperm.xlane v3, v2;
	_ =	sdelay $0x1  }
0x67: {  	v3 =	vadd.s32 v1, v3  }
0x68: {  	[tilespmem:s11], [sflag:$0x1] =	stream.indirect_vreg.gather [hbm4b:s3+s1], $0x80, v4, vm0, $0xb8;
	[tilespmem:$0x8080] =	vst v63  }
0x69: {  	_ = 	snop  }
0x6a: {  	[tilespmem:s12], [sflag:$0x1] =	stream.indirect_vreg.gather [hbm4b:s5+s1], $0x80, v4, vm0, $0xb8;
	[tilespmem:$0x8080] =	vst v63  }
0x6b: {  	_ = 	snop  }
0x6c: {  	[tilespmem:s13], [sflag:$0x1] =	stream.indirect_vreg.gather [hbm4b:s3+s1], $0x80, v3, vm0, $0xb8;
	[tilespmem:$0x8080] =	vst v63  }
0x6d: {  	_ = 	snop  }
0x6e: {  	[tilespmem:s14], [sflag:$0x1] =	stream.indirect_vreg.gather [hbm4b:s5+s1], $0x80, v3, vm0, $0xb8;
	[tilespmem:$0x8080] =	vst v63  }
0x6f: {  	v3 =	vld [tilespmem:$0x10];
	_ =	sdelay $0x4  }
0x70: {  	v61 =	vshll.u32 v3, $0x2  }
0x71: {  	v3 =	vand.u32 $0x7, v3;
	v4 =	vand.u32 $0xFFFFFFE0, v61  }
0x72: {  	v3 =	vor.u32 v3, v4  }
0x73: {  	v4 =	vperm.xlane v3, v0;
	_ =	sdelay $0x1  }
0x74: {  	v4 =	vadd.s32 v1, v4;
	_ =	sdelay $0x1  }
0x75: {  	v3 =	vperm.xlane v3, v2;
	_ =	sdelay $0x1  }
0x76: {  	v3 =	vadd.s32 v1, v3  }
0x77: {  	[tilespmem:s15], [sflag:$0x1] =	stream.indirect_vreg.gather [hbm4b:s3+s1], $0x80, v4, vm0, $0xb8;
	[tilespmem:$0x8080] =	vst v63  }
0x78: {  	_ = 	snop  }
0x79: {  	[tilespmem:s16], [sflag:$0x1] =	stream.indirect_vreg.gather [hbm4b:s5+s1], $0x80, v4, vm0, $0xb8;
	[tilespmem:$0x8080] =	vst v63  }
0x7a: {  	_ = 	snop  }
0x7b: {  	[tilespmem:s17], [sflag:$0x1] =	stream.indirect_vreg.gather [hbm4b:s3+s1], $0x80, v3, vm0, $0xb8;
	[tilespmem:$0x8080] =	vst v63  }
0x7c: {  	_ = 	snop  }
0x7d: {  	[tilespmem:s18], [sflag:$0x1] =	stream.indirect_vreg.gather [hbm4b:s5+s1], $0x80, v3, vm0, $0xb8;
	[tilespmem:$0x8080] =	vst v63  }
0x7e: {  	v3 =	vld [tilespmem:$0x20];
	_ =	sdelay $0x4  }
0x7f: {  	v62 =	vshll.u32 v3, $0x2  }
0x80: {  	v3 =	vand.u32 $0x7, v3;
	v4 =	vand.u32 $0xFFFFFFE0, v62  }
0x81: {  	v3 =	vor.u32 v3, v4  }
0x82: {  	v4 =	vperm.xlane v3, v0;
	_ =	sdelay $0x1  }
0x83: {  	v4 =	vadd.s32 v1, v4;
	_ =	sdelay $0x1  }
0x84: {  	v3 =	vperm.xlane v3, v2;
	_ =	sdelay $0x1  }
0x85: {  	v3 =	vadd.s32 v1, v3  }
0x86: {  	[tilespmem:s19], [sflag:$0x1] =	stream.indirect_vreg.gather [hbm4b:s3+s1], $0x80, v4, vm0, $0xb8;
	[tilespmem:$0x8080] =	vst v63  }
0x87: {  	_ = 	snop  }
0x88: {  	[tilespmem:s20], [sflag:$0x1] =	stream.indirect_vreg.gather [hbm4b:s5+s1], $0x80, v4, vm0, $0xb8;
	[tilespmem:$0x8080] =	vst v63  }
0x89: {  	_ = 	snop  }
0x8a: {  	[tilespmem:s21], [sflag:$0x1] =	stream.indirect_vreg.gather [hbm4b:s3+s1], $0x80, v3, vm0, $0xb8;
	[tilespmem:$0x8080] =	vst v63  }
0x8b: {  	_ = 	snop  }
0x8c: {  	[tilespmem:s22], [sflag:$0x1] =	stream.indirect_vreg.gather [hbm4b:s5+s1], $0x80, v3, vm0, $0xb8;
	[tilespmem:$0x8080] =	vst v63  }
0x8d: {  	v3 =	vld [tilespmem:$0x30];
	_ =	sdelay $0x4  }
0x8e: {  	v63 =	vshll.u32 v3, $0x2  }
0x8f: {  	v3 =	vand.u32 $0x7, v3;
	v4 =	vand.u32 $0xFFFFFFE0, v63  }
0x90: {  	v3 =	vor.u32 v3, v4  }
0x91: {  	v4 =	vperm.xlane v3, v0;
	_ =	sdelay $0x1  }
0x92: {  	v4 =	vadd.s32 v1, v4;
	_ =	sdelay $0x1  }
0x93: {  	v3 =	vperm.xlane v3, v2;
	_ =	sdelay $0x1  }
0x94: {  	v3 =	vadd.s32 v1, v3  }
0x95: {  	[tilespmem:s23], [sflag:$0x1] =	stream.indirect_vreg.gather [hbm4b:s3+s1], $0x80, v4, vm0, $0xb8;
	[tilespmem:$0x8080] =	vst v63  }
0x96: {  	_ = 	snop  }
0x97: {  	[tilespmem:s24], [sflag:$0x1] =	stream.indirect_vreg.gather [hbm4b:s5+s1], $0x80, v4, vm0, $0xb8;
	[tilespmem:$0x8080] =	vst v63  }
0x98: {  	_ = 	snop  }
0x99: {  	[tilespmem:s25], [sflag:$0x1] =	stream.indirect_vreg.gather [hbm4b:s3+s1], $0x80, v3, vm0, $0xb8;
	[tilespmem:$0x8080] =	vst v63  }
0x9a: {  	_ = 	snop  }
0x9b: {  	[tilespmem:s26], [sflag:$0x1] =	stream.indirect_vreg.gather [hbm4b:s5+s1], $0x80, v3, vm0, $0xb8;
	[tilespmem:$0x8080] =	vst v63  }
0x9c: {  	_ =	swait.ge [sflag:s28], $0x8000  }
0x9d: {  	p0 =	sne.s32 s9, $0x1;
	[sflag:s28] =	ssyncset.done $0x0  }
.Ltmp0:
0x9e: {  	[sflag:s28] =	ssyncadd.s32 $0xFFFF8000;
	(pc) =	sbr.rel @p0 .LBB2_1-.Ltmp0, $4  }
0x9f: {  	[hbm4b:s8+s1] =	stream.linear.scatter [tilespmem:s11], [sflag:$0x2], $0x8000, $0x38;
	[tilespmem:$0x8080] =	vst v63  }
0xa0: {  	_ =	swait.ge [sflag:s10], $0x8000  }
0xa1: {  	[sflag:s10] =	ssyncset.done $0x0  }
0xa2: {  	s9 =	sadd.s32 $0xFFFFFFFF, s9;
	[sflag:s10] =	ssyncadd.s32 $0xFFFF8000  }
0xa3: {  	_ =	sfence.sel $0x180000  }
0xa4: {  	[bflag:$0x0] =	sbarrier.arrive $0xFFFF  }
0xa5: {  	p0 =	sne.s32 s2, $0x0;
	_ =	strace $0x9000004A  }
0xa6: {  	s0 =	sadd.s32 @!p0 $0x100000, s0;
	[bflag:$0x2] =	sbarrier.arrive $0xFFFF  }
0xa7: {  	[sflag:s0] =	ssyncadd.tile.s32 @!p0 $0x1;
	_ =	shalt  }
.Lfunc_end2:
_tile_overlayer_lowered:
.L_overlay_start_2:
0xa8: {  	(tag) =	ssettag $0x2  }
0xa9: {  	s0 =	rddreg [dreg:$0x0];
	s2 =	stileid.u32  }
0xaa: {  	s1 =	rddreg [dreg:$0x1];
	p0 =	sne.s32 s2, $0x0  }
0xab: {  	s3 =	rddreg [dreg:$0x2];
	[bflag:$0x3] =	sbarrier.arrive $0xFFFF;
	s2 =	simm.s32 @!p0 $0x1C02  }
0xac: {  	[timem:s3], [sflag:s2] =	dma.local @!p0 [hbm:s0], s1  }
0xad: {  	s0 =	simm.s32 @!p0 $0x2  }
0xae: {  	_ =	swait.ge @!p0 [sflag:s0], s1  }
0xaf: {  	s1 =	ssub.s32 @!p0 $0x0, s1;
	[sflag:s0] =	ssyncset.done @!p0 $0x0  }
0xb0: {  	[sflag:s0] =	ssyncadd.s32 @!p0 s1  }
0xb1: {  	[bflag:$0x3] =	sbarrier.arrive $0xFFFF  }
0xb2: {  	_ =	shalt  }

// kernel: kernel.8.cloned.1.call-start
scs
__scs_entry_jumppad:
0x0: {  	(pc) =	sbr.rel $0x88, $3  }
0x1: {  	(tag) =	ssettag $0x0;
	lr =	simm.s32 $0x1  }
0x2: {  	[smem:$0x3F98] =	sst lr;
	_ =	strace $0xD0000000  }
0x3: {  	_ = 	snop  }
0x4: {  	_ = 	snop  }
0x5: {  	_ = 	snop  }
0x6: {  	_ = 	snop  }
0x7: {  	_ = 	snop  }
__scs_overlays_trampoline_lowered:
0x8: {  	[smem:$0x3FA7] =	sst s0  }
0x9: {  	[smem:$0x3FA8] =	sst s1  }
0xa: {  	[smem:$0x3FA9] =	sst s2  }
0xb: {  	[smem:$0x3FAA] =	sst s3  }
0xc: {  	[smem:$0x3FAB] =	sst s4  }
0xd: {  	[smem:$0x3FAC] =	sst s5  }
0xe: {  	[smem:$0x3FAD] =	sst s6  }
0xf: {  	[smem:$0x3FAE] =	sst s7  }
0x10: {  	[smem:$0x3FAF] =	sst s8  }
0x11: {  	[smem:$0x3FB0] =	sst s9;
	s0 =	simm.s32 @!p0 $0x0  }
0x12: {  	s1 =	sld [smem:$0x3F96];
	s0 =	simm.s32 @p0 $0x1  }
0x13: {  	[smem:$0x3FB1] =	sst s0;
	s0 =	simm.s32 @!p1 $0x0  }
0x14: {  	s2 =	sld [smem:$0x3F95];
	s0 =	simm.s32 @p1 $0x1  }
0x15: {  	[smem:$0x3FB2] =	sst s0;
	s0 =	simm.s32 @!p2 $0x0  }
0x16: {  	s3 =	sld [smem:$0x3FDB];
	s0 =	simm.s32 @p2 $0x1  }
0x17: {  	s4 =	simm.s32 $0x1BF5;
	[smem:$0x3FB4] =	sst s0  }
0x18: {  	s0 =	sld [smem:$0x3F97];
	_ =	swait.ge [sflag:s4], $0x0  }
0x19: {  	s7 =	sld [smem:$0x3F98]  }
0x1a: {  	s8 =	sadd.s32 $0xFFFFE003, lr  }
0x1b: {  	s9 =	sadd.s32 $0xFFFFFEF7, lr;
	s5 =	simm.s32 $0xFFFFFFFF;
	p2 =	slt.u32 s8, $0xFFFFF086  }
0x1c: {  	p1 =	slt.u32 s9, $0xF7A;
	s5 =	simm.s32 @!p2 $0x0  }
0x1d: {  	s5 =	simm.s32 @p1 $0x1;
	p0 =	seq.s32 s7, s2  }
0x1e: {  	s7 =	smul.u32 @!p0 $0xF7A, s2;
	p2 =	seq.s32 @!p0 s5, $0x0  }
0x1f: {  	s9 =	smul.u32 $0xF7A, s1;
	s8 =	simm.s32 @!p0 $0x1BF5;
	p2 =	por !p2, p0  }
0x20: {  	[sflag:s8] =	ssyncset.s32 @!p0 $0xFFFFF086;
	s6 =	sadd.s32 @!p0 s3, s7;
	s7 =	simm.s32 @!p0 $0x108  }
0x21: {  	s3 =	sadd.s32 s3, s9;
	s6 =	sadd.s32 @!p0 $0x88, s6;
	s7 =	simm.s32 @p2 $0x1082  }
0x22: {  	[simem:s7], [sflag:s8] =	dma.local @!p0 [hbm:s6], $0xF7A  }
0x23: {  	s9 =	sor.u32 $0xD0000000, s2;
	s6 =	simm.s32 $0x108;
	_ =	swait.ge @!p0 [sflag:s8], $0x0  }
0x24: {  	s3 =	sadd.s32 $0x88, s3;
	s6 =	simm.s32 @!p1 $0x1082;
	[sflag:s4] =	ssyncset.s32 $0xFFFFF086  }
0x25: {  	[simem:s6], [sflag:s4] =	dma.local [hbm:s3], $0xF7A  }
0x26: {  	[smem:$0x3F98] =	sst s1;
	(tag) =	ssettag s2;
	_ =	strace s9  }
0x27: {  	s1 =	sld [smem:$0x3FA8]  }
0x28: {  	s2 =	sld [smem:$0x3FA9]  }
0x29: {  	s4 =	sld [smem:$0x3FAB]  }
0x2a: {  	p0 =	seq.s32 s5, $0x0;
	s5 =	sld [smem:$0x3FAC]  }
0x2b: {  	s6 =	sld [smem:$0x3FAD]  }
0x2c: {  	s7 =	sld [smem:$0x3FAE]  }
0x2d: {  	s3 =	simm.s32 $0x108;
	s8 =	sld [smem:$0x3FAF]  }
0x2e: {  	s3 =	simm.s32 @!p0 $0x1082;
	s9 =	sld [smem:$0x3FB0]  }
0x2f: {  	lr =	sadd.s32 s0, s3;
	s0 =	sld [smem:$0x3FA7]  }
0x30: {  	s3 =	sld [smem:$0x3FAA]  }
0x31: {  	[smem:$0x3FB3] =	sst s10  }
0x32: {  	s10 =	sld [smem:$0x3FB1];
	_ =	sdelay $0x3  }
0x33: {  	p0 =	seq.s32 s10, $0x1;
	s10 =	sld [smem:$0x3FB3];
	_ =	sdelay $0x3  }
0x34: {  	[smem:$0x3FB3] =	sst s10  }
0x35: {  	s10 =	sld [smem:$0x3FB2];
	_ =	sdelay $0x3  }
0x36: {  	p1 =	seq.s32 s10, $0x1;
	s10 =	sld [smem:$0x3FB3];
	_ =	sdelay $0x3  }
0x37: {  	[smem:$0x3FB3] =	sst s10  }
0x38: {  	s10 =	sld [smem:$0x3FB4]  }
0x39: {  	_ = 	snop;
	(pc) =	sbr.ind lr, $3  }
0x3a: {  	_ = 	snop  }
0x3b: {  	_ = 	snop  }
0x3c: {  	p2 =	seq.s32 s10, $0x1;
	s10 =	sld [smem:$0x3FB3]  }
0x3d: {  	_ =	shalt  }
0x3e: {  	_ =	shalt  }
0x3f: {  	_ =	shalt  }
0x40: {  	_ =	shalt  }
0x41: {  	_ =	shalt  }
0x42: {  	_ =	shalt  }
0x43: {  	_ =	shalt  }
0x44: {  	_ =	shalt  }
0x45: {  	_ =	shalt  }
0x46: {  	_ =	shalt  }
0x47: {  	_ =	shalt  }
0x48: {  	_ =	shalt  }
0x49: {  	_ =	shalt  }
0x4a: {  	_ =	shalt  }
0x4b: {  	_ =	shalt  }
0x4c: {  	_ =	shalt  }
0x4d: {  	_ =	shalt  }
0x4e: {  	_ =	shalt  }
0x4f: {  	_ =	shalt  }
0x50: {  	_ =	shalt  }
0x51: {  	_ =	shalt  }
0x52: {  	_ =	shalt  }
0x53: {  	_ =	shalt  }
0x54: {  	_ =	shalt  }
0x55: {  	_ =	shalt  }
0x56: {  	_ =	shalt  }
0x57: {  	_ =	shalt  }
0x58: {  	_ =	shalt  }
0x59: {  	_ =	shalt  }
0x5a: {  	_ =	shalt  }
0x5b: {  	_ =	shalt  }
0x5c: {  	_ =	shalt  }
0x5d: {  	_ =	shalt  }
0x5e: {  	_ =	shalt  }
0x5f: {  	_ =	shalt  }
0x60: {  	_ =	shalt  }
0x61: {  	_ =	shalt  }
0x62: {  	_ =	shalt  }
0x63: {  	_ =	shalt  }
0x64: {  	_ =	shalt  }
0x65: {  	_ =	shalt  }
0x66: {  	_ =	shalt  }
0x67: {  	_ =	shalt  }
0x68: {  	_ =	shalt  }
0x69: {  	_ =	shalt  }
0x6a: {  	_ =	shalt  }
0x6b: {  	_ =	shalt  }
0x6c: {  	_ =	shalt  }
0x6d: {  	_ =	shalt  }
0x6e: {  	_ =	shalt  }
0x6f: {  	_ =	shalt  }
0x70: {  	_ =	shalt  }
0x71: {  	_ =	shalt  }
0x72: {  	_ =	shalt  }
0x73: {  	_ =	shalt  }
0x74: {  	_ =	shalt  }
0x75: {  	_ =	shalt  }
0x76: {  	_ =	shalt  }
0x77: {  	_ =	shalt  }
0x78: {  	_ =	shalt  }
0x79: {  	_ =	shalt  }
0x7a: {  	_ =	shalt  }
0x7b: {  	_ =	shalt  }
0x7c: {  	_ =	shalt  }
0x7d: {  	_ =	shalt  }
0x7e: {  	_ =	shalt  }
0x7f: {  	_ =	shalt  }
0x80: {  	_ =	shalt  }
0x81: {  	_ =	shalt  }
0x82: {  	_ =	shalt  }
0x83: {  	_ =	shalt  }
0x84: {  	_ =	shalt  }
0x85: {  	_ =	shalt  }
0x86: {  	_ =	shalt  }
0x87: {  	_ =	shalt  }
.Lfunc_end0:
.L_simem_size_0:
called_computation_lowered:
.L_overlay_start_0:
0x88: {  	s2 =	sld [smem:$0x3FD9]  }
0x89: {  	s3 =	sld [smem:$0x3FFE];
	_ =	sdelay $0x1  }
0x8a: {  	s1 =	srdreg.scid  }
0x8b: {  	s0 =	sand.u32 $0x1, s1  }
0x8c: {  	s17 =	sshll.u32 s0, $0xA;
	s2 =	sadd.s32 s3, s2  }
0x8d: {  	s2 =	sadd.s32 s2, s17  }
0x8e: {  	[smem:$0x3FBF] =	sst s2  }
0x8f: {  	_ = 	snop  }
0x90: {  	s2 =	sld [smem:$0x3FC9];
	(tm) =	ssettm $0x1  }
0x91: {  	s18 =	sld [smem:$0x3FFB];
	_ =	sdelay $0x3  }
0x92: {  	_ =	strace s18  }
0x93: {  	s3 =	sld [smem:$0x3FFC];
	_ =	sdelay $0x3  }
0x94: {  	_ =	strace s3  }
0x95: {  	s3 =	sld [smem:$0x3FFD];
	_ =	sdelay $0x3  }
0x96: {  	_ =	strace s3  }
0x97: {  	_ =	strace $0x8FFFFFFF  }
0x98: {  	s19 =	sld [smem:$0x3FDB];
	_ =	sdelay $0x1  }
0x99: {  	s4 =	simm.s32 $_scs_section_size  }
0x9a: {  	s5 =	simm.s32 $_size__tile_overlayer_lowered;
	s6 =	simm.s32 $_tile_overlayer_lowered  }
0x9b: {  	s22 =	simm.s32 $0x1BFF;
	s21 =	sshll.u32 s6, $0x1;
	s3 =	sadd.s32 s4, s19  }
0x9c: {  	s7 =	simm.s32 $0x0;
	s20 =	sshll.u32 s5, $0x1;
	s5 =	sadd.s32 s21, s3  }
0x9d: {  	[timem:s7], [sflag:s22] =	dma.local [hbm:s5], s20  }
0x9e: {  	_ =	swait.ge [sflag:s22], s20  }
0x9f: {  	s4 =	ssub.s32 $0x0, s20;
	[sflag:s22] =	ssyncset.done $0x0  }
0xa0: {  	[sflag:s22] =	ssyncadd.s32 s4;
	_ =	sdelay $0x1  }
0xa1: {  	s23 =	simm.s32 $0x1B8B  }
0xa2: {  	_ =	swait.ge [sflag:s23], $0x1  }
0xa3: {  	[sflag:s23] =	ssyncset.done $0x0  }
0xa4: {  	s25 =	simm.s32 $0x1B8E;
	s24 =	sld [smem:$0x3FFE];
	[sflag:s23] =	ssyncadd.s32 $0xFFFFFFFF  }
0xa5: {  	s26 =	simm.s32 $execute0_lowered;
	[smem:$0x3FD2] =	sst s25  }
0xa6: {  	s5 =	sshll.u32 s26, $0x1;
	_ =	strace $0x80000046;
	[dreg:$0x1] =	wrdreg $0xFFFFFFFF  }
0xa7: {  	s28 =	simm.s32 $_size_execute0_lowered;
	s3 =	sadd.s32 s3, s5;
	[dreg:$0x0] =	wrdreg $0x0  }
0xa8: {  	s5 =	sshll.u32 s28, $0x1;
	[dreg:$0x2] =	wrdreg s3  }
0xa9: {  	[dreg:$0x3] =	wrdreg s5  }
0xaa: {  	[dreg:$0x4] =	wrdreg $0xC0  }
0xab: {  	_ =	task [dreg:s7], $0x5FFFF  }
0xac: {  	[dreg:$0x1] =	wrdreg $0xFFFFFFFF  }
0xad: {  	[dreg:$0x0] =	wrdreg $0x60  }
0xae: {  	[dreg:$0x2] =	wrdreg s2  }
0xaf: {  	[dreg:$0x3] =	wrdreg s24  }
0xb0: {  	[dreg:$0x4] =	wrdreg $0x9  }
0xb1: {  	_ =	task.clear_ibuf [dreg:s7], $0x5FFFF;
	_ =	strace $0x90000046  }
0xb2: {  	s29 =	simm.s32 $0x9;
	_ =	strace $0x80000048  }
0xb3: {  	_ =	swait.ge [sflag:s29], $0x1  }
0xb4: {  	[sflag:s29] =	ssyncadd.s32 $0xFFFFFFFF  }
0xb5: {  	_ =	strace $0x90000048  }
0xb6: {  	_ =	sfence  }
0xb7: {  	s30 =	sld [smem:$0x0];
	_ =	sdelay $0x2  }
0xb8: {  	s31 =	sshll.u32 s1, $0xD;
	s1 =	sshrl.u32 s1, $0x2  }
0xb9: {  	s3 =	sand.u32 $0x4000, s31;
	s1 =	sadd.s32 s1, s30  }
0xba: {  	s0 =	sor.u32 s3, s0;
	s1 =	sshll.u32 s1, $0x11  }
0xbb: {  	s0 =	sor.u32 s1, s0  }
0xbc: {  	s0 =	sadd.s32 $0x8F2B, s0  }
0xbd: {  	[sflag:s0] =	ssyncadd.remote.s32 $0x1  }
0xbe: {  	_ =	sfence.sel $0xFFFF  }
0xbf: {  	[dreg:$0x0] =	wrdreg $0xFFFFFFFF;
	(pc) =	sbr.abs _section_cstart, $3  }
0xc0: {  	[dreg:$0x1] =	wrdreg $0xFFFFFFFF  }
0xc1: {  	_ =	task.clear_ibuf [dreg:s7], $0x2FFFF;
	_ =	strace $0x9FFFFFFF  }
0xc2: {  	(tm) =	ssettm $0x7FFFFFFF  }
0xc3: {  	_ =	shalt  }
tec
execute0_lowered:
.L_overlay_start_1:
0x0: {  	(tag) =	ssettag $0x1  }
0x1: {  	s0 =	rddreg [dreg:$0x0]  }
0x2: {  	s1 =	rddreg [dreg:$0x1]  }
0x3: {  	s2 =	srdreg.scid;
	s6 =	stileid.u32  }
0x4: {  	s18 =	simm.s32 $0x1;
	s20 =	simm.s32 $0x880;
	s21 =	simm.s32 $0x1080  }
0x5: {  	s22 =	simm.s32 $0x1880;
	s23 =	simm.s32 $0x2080;
	s28 =	simm.s32 $0x4080  }
0x6: {  	s29 =	simm.s32 $0x4880;
	s30 =	simm.s32 $0x5080;
	s31 =	simm.s32 $0x5880  }
0x7: {  	s10 =	simm.s32 $0x7080;
	s11 =	simm.s32 $0x7880;
	s12 =	simm.s32 $0x8080  }
0x8: {  	s13 =	simm.s32 $0x8880;
	s14 =	simm.s32 $0x9080;
	s15 =	simm.s32 $0x9880  }
0x9: {  	s16 =	simm.s32 $0xA080;
	s17 =	simm.s32 $0xA880;
	s4 =	sand.u32 $0x1, s2  }
0xa: {  	s2 =	simm.s32 $0x0;
	s3 =	sshll.u32 s6, $0x8;
	p0 =	slt.u32 s6, $0x8  }
0xb: {  	s6 =	simm.s32 $0x0;
	s5 =	sshll.u32 s4, $0x7;
	[smem:$0x7FF] =	sst s2  }
0xc: {  	s6 =	simm.s32 @!p0 $0xFFFFF800;
	s4 =	ssub.s32 $0x2, s4;
	s5 =	sor.u32 s5, s3  }
0xd: {  	_ =	strace $0x80000047;
	s24 =	sshrl.u32 s4, $0x1;
	s3 =	sshrl.u32 s5, $0x3  }
0xe: {  	s5 =	sadd.s32 s5, s6;
	s9 =	ssub.s32 s4, s24;
	s4 =	sadd.s32 $0x2B00, s1  }
0xf: {  	s6 =	sadd.s32 $0x2D00, s1;
	s24 =	simm.s32 $0x2880;
	s7 =	sadd.s32 s3, s1  }
0x10: {  	s3 =	sadd.s32 $0x2A00, s1;
	s5 =	sshll.u32 s5, $0x7;
	s8 =	sadd.s32 $0x2800, s7  }
0x11: {  	s25 =	sadd.s32 s0, s5;
	s26 =	sand.u32 $0x1FFFC000, s5;
	[dreg:$0x3] =	wrdreg s8  }
0x12: {  	s5 =	sadd.s32 $0x2C00, s1;
	s7 =	sadd.s32 $0x2808, s7;
	[dreg:$0x4] =	wrdreg s25  }
0x13: {  	v2 =	vlaneseq.u32;
	s0 =	sadd.s32 s26, s0;
	[dreg:$0x5] =	wrdreg s7;
	s7 =	smax.u32 s9, $0x1  }
0x14: {  	vm0 =	vmmov $0xffff;
	v1 =	vshrl.u32 v2, $0x3;
	s8 =	simm.s32 $0x2;
	s25 =	simm.s32 $0x3080;
	s0 =	sadd.s32 $0x2000, s0  }
0x15: {  	v0 =	vand.u32 $0x7, v2;
	v2 =	vor.u32 $0x8, v2;
	v1 =	vmul.u32 $0x8, v1;
	s26 =	simm.s32 $0x3880;
	s9 =	simm.s32 $0xB080;
	[dreg:$0x6] =	wrdreg s0  }
.LBB2_1:
0x16: {  	s19 =	rddreg [dreg:$0x3]  }
0x17: {  	[tilespmem:s2], [sflag:$0x2] =	stream.linear.gather [hbm4b:s19+s2], $0x40, $0x38;
	[tilespmem:$0x10080] =	vst v63  }
0x18: {  	_ =	swait.ge [sflag:s8], $0x40  }
0x19: {  	[sflag:s8] =	ssyncset.done $0x0  }
0x1a: {  	s0 =	simm.s32 $0x80;
	s1 =	rddreg [dreg:$0x4];
	[sflag:s8] =	ssyncadd.s32 $0xFFFFFFC0  }
0x1b: {  	[tilespmem:s0], [sflag:$0x2] =	stream.linear.gather [hbm4b:s1+s2], $0x10000, $0x38;
	[tilespmem:$0x10080] =	vst v63  }
0x1c: {  	_ =	swait.ge [sflag:s8], $0x10000  }
0x1d: {  	[sflag:s8] =	ssyncset.done $0x0  }
0x1e: {  	[sflag:s8] =	ssyncadd.s32 $0xFFFF0000  }
0x1f: {  	v3 =	vld [tilespmem:$0x0];
	_ =	sdelay $0x4  }
0x20: {  	v4 =	vshll.u32 v3, $0x3  }
0x21: {  	v3 =	vand.u32 $0x7, v3;
	v4 =	vand.u32 $0xFFFFFFC0, v4  }
0x22: {  	v3 =	vor.u32 v3, v4  }
0x23: {  	v4 =	vperm.xlane v3, v0;
	_ =	sdelay $0x1  }
0x24: {  	v4 =	vadd.s32 v1, v4;
	_ =	sdelay $0x4  }
0x25: {  	[hbm4b:s3+s2] =	stream.indirect_vreg.scatter [tilespmem:s0], [sflag:$0x1], $0x80, v4, vm0, $0xb8;
	[tilespmem:$0x10080] =	vst v63  }
0x26: {  	v3 =	vperm.xlane v3, v2  }
0x27: {  	[hbm4b:s4+s2] =	stream.indirect_vreg.scatter [tilespmem:s20], [sflag:$0x1], $0x80, v4, vm0, $0xb8;
	[tilespmem:$0x10080] =	vst v63  }
0x28: {  	v3 =	vadd.s32 v1, v3  }
0x29: {  	[hbm4b:s5+s2] =	stream.indirect_vreg.scatter [tilespmem:s21], [sflag:$0x1], $0x80, v4, vm0, $0xb8;
	[tilespmem:$0x10080] =	vst v63  }
0x2a: {  	_ = 	snop  }
0x2b: {  	[hbm4b:s6+s2] =	stream.indirect_vreg.scatter [tilespmem:s22], [sflag:$0x1], $0x80, v4, vm0, $0xb8;
	[tilespmem:$0x10080] =	vst v63  }
0x2c: {  	_ = 	snop  }
0x2d: {  	[hbm4b:s3+s2] =	stream.indirect_vreg.scatter [tilespmem:s23], [sflag:$0x1], $0x80, v3, vm0, $0xb8;
	[tilespmem:$0x10080] =	vst v63  }
0x2e: {  	_ = 	snop  }
0x2f: {  	[hbm4b:s4+s2] =	stream.indirect_vreg.scatter [tilespmem:s24], [sflag:$0x1], $0x80, v3, vm0, $0xb8;
	[tilespmem:$0x10080] =	vst v63  }
0x30: {  	_ = 	snop  }
0x31: {  	[hbm4b:s5+s2] =	stream.indirect_vreg.scatter [tilespmem:s25], [sflag:$0x1], $0x80, v3, vm0, $0xb8;
	[tilespmem:$0x10080] =	vst v63  }
0x32: {  	_ = 	snop  }
0x33: {  	[hbm4b:s6+s2] =	stream.indirect_vreg.scatter [tilespmem:s26], [sflag:$0x1], $0x80, v3, vm0, $0xb8;
	[tilespmem:$0x10080] =	vst v63  }
0x34: {  	v3 =	vld [tilespmem:$0x10];
	_ =	sdelay $0x4  }
0x35: {  	v57 =	vshll.u32 v3, $0x3  }
0x36: {  	v3 =	vand.u32 $0x7, v3;
	v4 =	vand.u32 $0xFFFFFFC0, v57  }
0x37: {  	v3 =	vor.u32 v3, v4  }
0x38: {  	v4 =	vperm.xlane v3, v0;
	_ =	sdelay $0x1  }
0x39: {  	v4 =	vadd.s32 v1, v4;
	_ =	sdelay $0x4  }
0x3a: {  	[hbm4b:s3+s2] =	stream.indirect_vreg.scatter [tilespmem:s28], [sflag:$0x1], $0x80, v4, vm0, $0xb8;
	[tilespmem:$0x10080] =	vst v63  }
0x3b: {  	v3 =	vperm.xlane v3, v2  }
0x3c: {  	[hbm4b:s4+s2] =	stream.indirect_vreg.scatter [tilespmem:s29], [sflag:$0x1], $0x80, v4, vm0, $0xb8;
	[tilespmem:$0x10080] =	vst v63  }
0x3d: {  	v3 =	vadd.s32 v1, v3  }
0x3e: {  	[hbm4b:s5+s2] =	stream.indirect_vreg.scatter [tilespmem:s30], [sflag:$0x1], $0x80, v4, vm0, $0xb8;
	[tilespmem:$0x10080] =	vst v63  }
0x3f: {  	_ = 	snop  }
0x40: {  	[hbm4b:s6+s2] =	stream.indirect_vreg.scatter [tilespmem:s31], [sflag:$0x1], $0x80, v4, vm0, $0xb8;
	[tilespmem:$0x10080] =	vst v63  }
0x41: {  	s1 =	simm.s32 $0x6080  }
0x42: {  	[hbm4b:s3+s2] =	stream.indirect_vreg.scatter [tilespmem:s1], [sflag:$0x1], $0x80, v3, vm0, $0xb8;
	[tilespmem:$0x10080] =	vst v63  }
0x43: {  	s1 =	simm.s32 $0x6880  }
0x44: {  	[hbm4b:s4+s2] =	stream.indirect_vreg.scatter [tilespmem:s1], [sflag:$0x1], $0x80, v3, vm0, $0xb8;
	[tilespmem:$0x10080] =	vst v63  }
0x45: {  	_ = 	snop  }
0x46: {  	[hbm4b:s5+s2] =	stream.indirect_vreg.scatter [tilespmem:s10], [sflag:$0x1], $0x80, v3, vm0, $0xb8;
	[tilespmem:$0x10080] =	vst v63  }
0x47: {  	_ = 	snop  }
0x48: {  	[hbm4b:s6+s2] =	stream.indirect_vreg.scatter [tilespmem:s11], [sflag:$0x1], $0x80, v3, vm0, $0xb8;
	[tilespmem:$0x10080] =	vst v63  }
0x49: {  	v3 =	vld [tilespmem:$0x20];
	_ =	sdelay $0x4  }
0x4a: {  	v58 =	vshll.u32 v3, $0x3  }
0x4b: {  	v3 =	vand.u32 $0x7, v3;
	v4 =	vand.u32 $0xFFFFFFC0, v58  }
0x4c: {  	v3 =	vor.u32 v3, v4  }
0x4d: {  	v4 =	vperm.xlane v3, v0;
	_ =	sdelay $0x1  }
0x4e: {  	v4 =	vadd.s32 v1, v4;
	_ =	sdelay $0x4  }
0x4f: {  	[hbm4b:s3+s2] =	stream.indirect_vreg.scatter [tilespmem:s12], [sflag:$0x1], $0x80, v4, vm0, $0xb8;
	[tilespmem:$0x10080] =	vst v63  }
0x50: {  	v3 =	vperm.xlane v3, v2  }
0x51: {  	[hbm4b:s4+s2] =	stream.indirect_vreg.scatter [tilespmem:s13], [sflag:$0x1], $0x80, v4, vm0, $0xb8;
	[tilespmem:$0x10080] =	vst v63  }
0x52: {  	v3 =	vadd.s32 v1, v3  }
0x53: {  	[hbm4b:s5+s2] =	stream.indirect_vreg.scatter [tilespmem:s14], [sflag:$0x1], $0x80, v4, vm0, $0xb8;
	[tilespmem:$0x10080] =	vst v63  }
0x54: {  	_ = 	snop  }
0x55: {  	[hbm4b:s6+s2] =	stream.indirect_vreg.scatter [tilespmem:s15], [sflag:$0x1], $0x80, v4, vm0, $0xb8;
	[tilespmem:$0x10080] =	vst v63  }
0x56: {  	_ = 	snop  }
0x57: {  	[hbm4b:s3+s2] =	stream.indirect_vreg.scatter [tilespmem:s16], [sflag:$0x1], $0x80, v3, vm0, $0xb8;
	[tilespmem:$0x10080] =	vst v63  }
0x58: {  	_ = 	snop  }
0x59: {  	[hbm4b:s4+s2] =	stream.indirect_vreg.scatter [tilespmem:s17], [sflag:$0x1], $0x80, v3, vm0, $0xb8;
	[tilespmem:$0x10080] =	vst v63  }
0x5a: {  	_ = 	snop  }
0x5b: {  	[hbm4b:s5+s2] =	stream.indirect_vreg.scatter [tilespmem:s9], [sflag:$0x1], $0x80, v3, vm0, $0xb8;
	[tilespmem:$0x10080] =	vst v63  }
0x5c: {  	s19 =	simm.s32 $0xB880  }
0x5d: {  	[hbm4b:s6+s2] =	stream.indirect_vreg.scatter [tilespmem:s19], [sflag:$0x1], $0x80, v3, vm0, $0xb8;
	[tilespmem:$0x10080] =	vst v63  }
0x5e: {  	v3 =	vld [tilespmem:$0x30];
	_ =	sdelay $0x4  }
0x5f: {  	v59 =	vshll.u32 v3, $0x3  }
0x60: {  	v3 =	vand.u32 $0x7, v3;
	v4 =	vand.u32 $0xFFFFFFC0, v59  }
0x61: {  	v3 =	vor.u32 v3, v4  }
0x62: {  	v4 =	vperm.xlane v3, v0;
	_ =	sdelay $0x1  }
0x63: {  	v4 =	vadd.s32 v1, v4;
	_ =	sdelay $0x3  }
0x64: {  	s19 =	simm.s32 $0xC080  }
0x65: {  	[hbm4b:s3+s2] =	stream.indirect_vreg.scatter [tilespmem:s19], [sflag:$0x1], $0x80, v4, vm0, $0xb8;
	[tilespmem:$0x10080] =	vst v63  }
0x66: {  	v3 =	vperm.xlane v3, v2;
	s19 =	simm.s32 $0xC880  }
0x67: {  	[hbm4b:s4+s2] =	stream.indirect_vreg.scatter [tilespmem:s19], [sflag:$0x1], $0x80, v4, vm0, $0xb8;
	[tilespmem:$0x10080] =	vst v63  }
0x68: {  	v3 =	vadd.s32 v1, v3;
	s19 =	simm.s32 $0xD080  }
0x69: {  	[hbm4b:s5+s2] =	stream.indirect_vreg.scatter [tilespmem:s19], [sflag:$0x1], $0x80, v4, vm0, $0xb8;
	[tilespmem:$0x10080] =	vst v63  }
0x6a: {  	s19 =	simm.s32 $0xD880  }
0x6b: {  	[hbm4b:s6+s2] =	stream.indirect_vreg.scatter [tilespmem:s19], [sflag:$0x1], $0x80, v4, vm0, $0xb8;
	[tilespmem:$0x10080] =	vst v63  }
0x6c: {  	s19 =	simm.s32 $0xE080  }
0x6d: {  	[hbm4b:s3+s2] =	stream.indirect_vreg.scatter [tilespmem:s19], [sflag:$0x1], $0x80, v3, vm0, $0xb8;
	[tilespmem:$0x10080] =	vst v63  }
0x6e: {  	s19 =	simm.s32 $0xE880  }
0x6f: {  	[hbm4b:s4+s2] =	stream.indirect_vreg.scatter [tilespmem:s19], [sflag:$0x1], $0x80, v3, vm0, $0xb8;
	[tilespmem:$0x10080] =	vst v63  }
0x70: {  	s19 =	simm.s32 $0xF080  }
0x71: {  	[hbm4b:s5+s2] =	stream.indirect_vreg.scatter [tilespmem:s19], [sflag:$0x1], $0x80, v3, vm0, $0xb8;
	[tilespmem:$0x10080] =	vst v63  }
0x72: {  	s19 =	simm.s32 $0xF880  }
0x73: {  	[hbm4b:s6+s2] =	stream.indirect_vreg.scatter [tilespmem:s19], [sflag:$0x1], $0x80, v3, vm0, $0xb8;
	[tilespmem:$0x10080] =	vst v63  }
0x74: {  	_ =	swait.ge [sflag:s18], $0x10000  }
0x75: {  	[sflag:s18] =	ssyncset.done $0x0  }
0x76: {  	s19 =	rddreg [dreg:$0x5];
	[sflag:s18] =	ssyncadd.s32 $0xFFFF0000  }
0x77: {  	[tilespmem:s2], [sflag:$0x2] =	stream.linear.gather [hbm4b:s19+s2], $0x40, $0x38;
	[tilespmem:$0x10080] =	vst v63  }
0x78: {  	_ =	swait.ge [sflag:s8], $0x40  }
0x79: {  	[sflag:s8] =	ssyncset.done $0x0  }
0x7a: {  	s19 =	rddreg [dreg:$0x6];
	[sflag:s8] =	ssyncadd.s32 $0xFFFFFFC0  }
0x7b: {  	[tilespmem:s0], [sflag:$0x2] =	stream.linear.gather [hbm4b:s19+s2], $0x10000, $0x38;
	[tilespmem:$0x10080] =	vst v63  }
0x7c: {  	_ =	swait.ge [sflag:s8], $0x10000  }
0x7d: {  	[sflag:s8] =	ssyncset.done $0x0  }
0x7e: {  	[sflag:s8] =	ssyncadd.s32 $0xFFFF0000  }
0x7f: {  	v3 =	vld [tilespmem:$0x0];
	_ =	sdelay $0x4  }
0x80: {  	v60 =	vshll.u32 v3, $0x3  }
0x81: {  	v3 =	vand.u32 $0x7, v3;
	v4 =	vand.u32 $0xFFFFFFC0, v60  }
0x82: {  	v3 =	vor.u32 v3, v4  }
0x83: {  	v4 =	vperm.xlane v3, v0;
	_ =	sdelay $0x1  }
0x84: {  	v4 =	vadd.s32 v1, v4;
	_ =	sdelay $0x4  }
0x85: {  	[hbm4b:s3+s2] =	stream.indirect_vreg.scatter [tilespmem:s0], [sflag:$0x1], $0x80, v4, vm0, $0xb8;
	[tilespmem:$0x10080] =	vst v63  }
0x86: {  	v3 =	vperm.xlane v3, v2  }
0x87: {  	[hbm4b:s4+s2] =	stream.indirect_vreg.scatter [tilespmem:s20], [sflag:$0x1], $0x80, v4, vm0, $0xb8;
	[tilespmem:$0x10080] =	vst v63  }
0x88: {  	v3 =	vadd.s32 v1, v3  }
0x89: {  	[hbm4b:s5+s2] =	stream.indirect_vreg.scatter [tilespmem:s21], [sflag:$0x1], $0x80, v4, vm0, $0xb8;
	[tilespmem:$0x10080] =	vst v63  }
0x8a: {  	_ = 	snop  }
0x8b: {  	[hbm4b:s6+s2] =	stream.indirect_vreg.scatter [tilespmem:s22], [sflag:$0x1], $0x80, v4, vm0, $0xb8;
	[tilespmem:$0x10080] =	vst v63  }
0x8c: {  	_ = 	snop  }
0x8d: {  	[hbm4b:s3+s2] =	stream.indirect_vreg.scatter [tilespmem:s23], [sflag:$0x1], $0x80, v3, vm0, $0xb8;
	[tilespmem:$0x10080] =	vst v63  }
0x8e: {  	_ = 	snop  }
0x8f: {  	[hbm4b:s4+s2] =	stream.indirect_vreg.scatter [tilespmem:s24], [sflag:$0x1], $0x80, v3, vm0, $0xb8;
	[tilespmem:$0x10080] =	vst v63  }
0x90: {  	_ = 	snop  }
0x91: {  	[hbm4b:s5+s2] =	stream.indirect_vreg.scatter [tilespmem:s25], [sflag:$0x1], $0x80, v3, vm0, $0xb8;
	[tilespmem:$0x10080] =	vst v63  }
0x92: {  	_ = 	snop  }
0x93: {  	[hbm4b:s6+s2] =	stream.indirect_vreg.scatter [tilespmem:s26], [sflag:$0x1], $0x80, v3, vm0, $0xb8;
	[tilespmem:$0x10080] =	vst v63  }
0x94: {  	v3 =	vld [tilespmem:$0x10];
	_ =	sdelay $0x4  }
0x95: {  	v61 =	vshll.u32 v3, $0x3  }
0x96: {  	v3 =	vand.u32 $0x7, v3;
	v4 =	vand.u32 $0xFFFFFFC0, v61  }
0x97: {  	v3 =	vor.u32 v3, v4  }
0x98: {  	v4 =	vperm.xlane v3, v0;
	_ =	sdelay $0x1  }
0x99: {  	v4 =	vadd.s32 v1, v4;
	_ =	sdelay $0x4  }
0x9a: {  	[hbm4b:s3+s2] =	stream.indirect_vreg.scatter [tilespmem:s28], [sflag:$0x1], $0x80, v4, vm0, $0xb8;
	[tilespmem:$0x10080] =	vst v63  }
0x9b: {  	v3 =	vperm.xlane v3, v2  }
0x9c: {  	[hbm4b:s4+s2] =	stream.indirect_vreg.scatter [tilespmem:s29], [sflag:$0x1], $0x80, v4, vm0, $0xb8;
	[tilespmem:$0x10080] =	vst v63  }
0x9d: {  	v3 =	vadd.s32 v1, v3  }
0x9e: {  	[hbm4b:s5+s2] =	stream.indirect_vreg.scatter [tilespmem:s30], [sflag:$0x1], $0x80, v4, vm0, $0xb8;
	[tilespmem:$0x10080] =	vst v63  }
0x9f: {  	_ = 	snop  }
0xa0: {  	[hbm4b:s6+s2] =	stream.indirect_vreg.scatter [tilespmem:s31], [sflag:$0x1], $0x80, v4, vm0, $0xb8;
	[tilespmem:$0x10080] =	vst v63  }
0xa1: {  	s19 =	simm.s32 $0x6080  }
0xa2: {  	[hbm4b:s3+s2] =	stream.indirect_vreg.scatter [tilespmem:s19], [sflag:$0x1], $0x80, v3, vm0, $0xb8;
	[tilespmem:$0x10080] =	vst v63  }
0xa3: {  	_ = 	snop  }
0xa4: {  	[hbm4b:s4+s2] =	stream.indirect_vreg.scatter [tilespmem:s1], [sflag:$0x1], $0x80, v3, vm0, $0xb8;
	[tilespmem:$0x10080] =	vst v63  }
0xa5: {  	_ = 	snop  }
0xa6: {  	[hbm4b:s5+s2] =	stream.indirect_vreg.scatter [tilespmem:s10], [sflag:$0x1], $0x80, v3, vm0, $0xb8;
	[tilespmem:$0x10080] =	vst v63  }
0xa7: {  	_ = 	snop  }
0xa8: {  	[hbm4b:s6+s2] =	stream.indirect_vreg.scatter [tilespmem:s11], [sflag:$0x1], $0x80, v3, vm0, $0xb8;
	[tilespmem:$0x10080] =	vst v63  }
0xa9: {  	v3 =	vld [tilespmem:$0x20];
	_ =	sdelay $0x4  }
0xaa: {  	v62 =	vshll.u32 v3, $0x3  }
0xab: {  	v3 =	vand.u32 $0x7, v3;
	v4 =	vand.u32 $0xFFFFFFC0, v62  }
0xac: {  	v3 =	vor.u32 v3, v4  }
0xad: {  	v4 =	vperm.xlane v3, v0;
	_ =	sdelay $0x1  }
0xae: {  	v4 =	vadd.s32 v1, v4;
	_ =	sdelay $0x4  }
0xaf: {  	[hbm4b:s3+s2] =	stream.indirect_vreg.scatter [tilespmem:s12], [sflag:$0x1], $0x80, v4, vm0, $0xb8;
	[tilespmem:$0x10080] =	vst v63  }
0xb0: {  	v3 =	vperm.xlane v3, v2  }
0xb1: {  	[hbm4b:s4+s2] =	stream.indirect_vreg.scatter [tilespmem:s13], [sflag:$0x1], $0x80, v4, vm0, $0xb8;
	[tilespmem:$0x10080] =	vst v63  }
0xb2: {  	v3 =	vadd.s32 v1, v3  }
0xb3: {  	[hbm4b:s5+s2] =	stream.indirect_vreg.scatter [tilespmem:s14], [sflag:$0x1], $0x80, v4, vm0, $0xb8;
	[tilespmem:$0x10080] =	vst v63  }
0xb4: {  	_ = 	snop  }
0xb5: {  	[hbm4b:s6+s2] =	stream.indirect_vreg.scatter [tilespmem:s15], [sflag:$0x1], $0x80, v4, vm0, $0xb8;
	[tilespmem:$0x10080] =	vst v63  }
0xb6: {  	_ = 	snop  }
0xb7: {  	[hbm4b:s3+s2] =	stream.indirect_vreg.scatter [tilespmem:s16], [sflag:$0x1], $0x80, v3, vm0, $0xb8;
	[tilespmem:$0x10080] =	vst v63  }
0xb8: {  	_ = 	snop  }
0xb9: {  	[hbm4b:s4+s2] =	stream.indirect_vreg.scatter [tilespmem:s17], [sflag:$0x1], $0x80, v3, vm0, $0xb8;
	[tilespmem:$0x10080] =	vst v63  }
0xba: {  	_ = 	snop  }
0xbb: {  	[hbm4b:s5+s2] =	stream.indirect_vreg.scatter [tilespmem:s9], [sflag:$0x1], $0x80, v3, vm0, $0xb8;
	[tilespmem:$0x10080] =	vst v63  }
0xbc: {  	s19 =	simm.s32 $0xB880  }
0xbd: {  	[hbm4b:s6+s2] =	stream.indirect_vreg.scatter [tilespmem:s19], [sflag:$0x1], $0x80, v3, vm0, $0xb8;
	[tilespmem:$0x10080] =	vst v63  }
0xbe: {  	v3 =	vld [tilespmem:$0x30];
	_ =	sdelay $0x4  }
0xbf: {  	v63 =	vshll.u32 v3, $0x3  }
0xc0: {  	v3 =	vand.u32 $0x7, v3;
	v4 =	vand.u32 $0xFFFFFFC0, v63  }
0xc1: {  	v3 =	vor.u32 v3, v4  }
0xc2: {  	v4 =	vperm.xlane v3, v0;
	_ =	sdelay $0x1  }
0xc3: {  	v4 =	vadd.s32 v1, v4;
	_ =	sdelay $0x3  }
0xc4: {  	s1 =	simm.s32 $0xC080  }
0xc5: {  	[hbm4b:s3+s2] =	stream.indirect_vreg.scatter [tilespmem:s1], [sflag:$0x1], $0x80, v4, vm0, $0xb8;
	[tilespmem:$0x10080] =	vst v63  }
0xc6: {  	s19 =	simm.s32 $0xC880;
	v3 =	vperm.xlane v3, v2  }
0xc7: {  	[hbm4b:s4+s2] =	stream.indirect_vreg.scatter [tilespmem:s19], [sflag:$0x1], $0x80, v4, vm0, $0xb8;
	[tilespmem:$0x10080] =	vst v63  }
0xc8: {  	v3 =	vadd.s32 v1, v3;
	s1 =	simm.s32 $0xD080  }
0xc9: {  	[hbm4b:s5+s2] =	stream.indirect_vreg.scatter [tilespmem:s1], [sflag:$0x1], $0x80, v4, vm0, $0xb8;
	[tilespmem:$0x10080] =	vst v63  }
0xca: {  	s19 =	simm.s32 $0xD880  }
0xcb: {  	[hbm4b:s6+s2] =	stream.indirect_vreg.scatter [tilespmem:s19], [sflag:$0x1], $0x80, v4, vm0, $0xb8;
	[tilespmem:$0x10080] =	vst v63  }
0xcc: {  	s1 =	simm.s32 $0xE080  }
0xcd: {  	[hbm4b:s3+s2] =	stream.indirect_vreg.scatter [tilespmem:s1], [sflag:$0x1], $0x80, v3, vm0, $0xb8;
	[tilespmem:$0x10080] =	vst v63  }
0xce: {  	s19 =	simm.s32 $0xE880  }
0xcf: {  	[hbm4b:s4+s2] =	stream.indirect_vreg.scatter [tilespmem:s19], [sflag:$0x1], $0x80, v3, vm0, $0xb8;
	[tilespmem:$0x10080] =	vst v63  }
0xd0: {  	p0 =	sne.s32 s7, $0x1;
	s1 =	simm.s32 $0xF080  }
0xd1: {  	[hbm4b:s5+s2] =	stream.indirect_vreg.scatter [tilespmem:s1], [sflag:$0x1], $0x80, v3, vm0, $0xb8;
	[tilespmem:$0x10080] =	vst v63  }
.Ltmp0:
0xd2: {  	s19 =	simm.s32 $0xF880;
	(pc) =	sbr.rel @p0 .LBB2_1-.Ltmp0, $4  }
0xd3: {  	[hbm4b:s6+s2] =	stream.indirect_vreg.scatter [tilespmem:s19], [sflag:$0x1], $0x80, v3, vm0, $0xb8;
	[tilespmem:$0x10080] =	vst v63  }
0xd4: {  	_ =	swait.ge [sflag:s18], $0x10000  }
0xd5: {  	[sflag:s18] =	ssyncset.done $0x0  }
0xd6: {  	s7 =	sadd.s32 $0xFFFFFFFF, s7;
	[sflag:s18] =	ssyncadd.s32 $0xFFFF0000  }
0xd7: {  	_ =	sfence.sel $0x180000  }
0xd8: {  	[bflag:$0x0] =	sbarrier.arrive $0xFFFF  }
0xd9: {  	_ =	strace $0x90000047  }
0xda: {  	s0 =	stileid.u32;
	[bflag:$0x2] =	sbarrier.arrive $0xFFFF  }
0xdb: {  	p0 =	sne.s32 s0, $0x0;
	s0 =	rddreg [dreg:$0x2]  }
0xdc: {  	s0 =	sadd.s32 @!p0 $0x100000, s0  }
0xdd: {  	[sflag:s0] =	ssyncadd.tile.s32 @!p0 $0x1;
	_ =	shalt  }
.Lfunc_end2:
_tile_overlayer_lowered:
.L_overlay_start_2:
0xde: {  	(tag) =	ssettag $0x2  }
0xdf: {  	s0 =	rddreg [dreg:$0x0];
	s2 =	stileid.u32  }
0xe0: {  	s1 =	rddreg [dreg:$0x1];
	p0 =	sne.s32 s2, $0x0  }
0xe1: {  	s3 =	rddreg [dreg:$0x2];
	[bflag:$0x3] =	sbarrier.arrive $0xFFFF;
	s2 =	simm.s32 @!p0 $0x1C02  }
0xe2: {  	[timem:s3], [sflag:s2] =	dma.local @!p0 [hbm:s0], s1  }
0xe3: {  	s0 =	simm.s32 @!p0 $0x2  }
0xe4: {  	_ =	swait.ge @!p0 [sflag:s0], s1  }
0xe5: {  	s1 =	ssub.s32 @!p0 $0x0, s1;
	[sflag:s0] =	ssyncset.done @!p0 $0x0  }
0xe6: {  	[sflag:s0] =	ssyncadd.s32 @!p0 s1  }
0xe7: {  	[bflag:$0x3] =	sbarrier.arrive $0xFFFF  }
0xe8: {  	_ =	shalt  }

</sc_bundles>
